<compile_context>
chip_gen: v7x
topology: tpu7x:2x2x1
jax: 0.10.2.dev20260603
libtpu: 0.0.44.dev20260713+nightly
codegen_flags: <defaults>
</compile_context>

<pallas_src>
import functools

import jax
import jax.numpy as jnp
from jax import lax
from jax.experimental import pallas as pl
from jax.experimental.pallas import tpu as pltpu
from jax.experimental.pallas import tpu_sc as plsc

N = 10000
E = 160000
FH = 128
NC = 2
NT = 16
CHUNK = 64
CPT = 160
G = 32
NG = CPT // G
NBUF = 4
EPAD = NT * CPT * CHUNK
NPAD = 10240
STRIPE = NPAD // NT

BM = 2000
CB_M = 2000
CB_N = 2048


def _dot(a, b, precision=None):
    return jnp.dot(a, b, preferred_element_type=jnp.float32,
                   precision=precision)


def _pre_body(x_ref, wlT_ref, wrT_ref, p_ref, r_ref):
    xb = x_ref[...]
    y = _dot(xb, wlT_ref[...], precision=lax.Precision.HIGHEST)
    p_ref[0] = y[:, :FH]
    p_ref[1] = y[:, FH:]
    r_ref[...] = _dot(xb, wrT_ref[...])


def _pre(x, wlT, wrT):
    return pl.pallas_call(
        _pre_body,
        grid=(N // BM,),
        in_specs=[
            pl.BlockSpec((BM, 512), lambda i: (i, 0)),
            pl.BlockSpec((512, 256), lambda i: (0, 0)),
            pl.BlockSpec((512, 256), lambda i: (0, 0)),
        ],
        out_specs=[
            pl.BlockSpec((NC, BM, FH), lambda i: (0, i, 0)),
            pl.BlockSpec((BM, 256), lambda i: (i, 0)),
        ],
        out_shape=[
            jax.ShapeDtypeStruct((NC, N, FH), jnp.float32),
            jax.ShapeDtypeStruct((N, 256), jnp.float32),
        ],
    )(x, wlT, wrT)


def _sc_segment_sum(pflat, src2, dst, z128, ones_h):
    mesh = plsc.VectorSubcoreMesh(core_axis_name="c", subcore_axis_name="s")

    @functools.partial(
        pl.kernel,
        mesh=mesh,
        out_type=jax.ShapeDtypeStruct((NC, NPAD, FH), jnp.float32),
        scratch_types=(
            pltpu.VMEM((2 * G, CHUNK), jnp.int32),
            pltpu.VMEM((2 * G, CHUNK), jnp.int32),
            pltpu.VMEM((NBUF, CHUNK, FH), jnp.float32),
            pltpu.VMEM_SHARED((NPAD, FH), jnp.float32),
            pltpu.SemaphoreType.DMA,
            pltpu.SemaphoreType.DMA,
            pltpu.SemaphoreType.DMA,
        ),
    )
    def k(p_hbm, src_hbm, dst_hbm, z128_hbm,
          out_acc, isrc, idst, buf, acc, gsem, ssem, isem):
        c = lax.axis_index("c")
        s = lax.axis_index("s")
        pltpu.sync_copy(z128_hbm, acc.at[pl.ds(s * STRIPE, STRIPE)])
        pltpu.sync_copy(src_hbm.at[c].at[s].at[pl.ds(0, G)],
                        isrc.at[pl.ds(0, G)])
        pltpu.sync_copy(dst_hbm.at[s].at[pl.ds(0, G)], idst.at[pl.ds(0, G)])
        plsc.subcore_barrier()
        pltpu.async_copy(p_hbm.at[isrc.at[0]], buf.at[0], gsem)
        pltpu.async_copy(p_hbm.at[isrc.at[1]], buf.at[1], gsem)

        def body(j, carry):
            g = j // G
            gi = j - g * G
            slot = g % 2
            nj = j + 2
            pltpu.make_async_copy(
                p_hbm.at[isrc.at[0]], buf.at[0], gsem).wait()

            @pl.when(j >= 2)
            def _():
                pltpu.make_async_copy(
                    buf.at[0], acc.at[idst.at[0]], ssem).wait()

            @pl.when((gi == 1) & (g + 1 < NG))
            def _():
                off = (1 - slot) * G
                pltpu.async_copy(
                    src_hbm.at[c].at[s].at[pl.ds((g + 1) * G, G)],
                    isrc.at[pl.ds(off, G)], isem)
                pltpu.async_copy(
                    dst_hbm.at[s].at[pl.ds((g + 1) * G, G)],
                    idst.at[pl.ds(off, G)], isem)

            @pl.when((nj < CPT) & (gi == G - 2))
            def _():
                pltpu.make_async_copy(
                    src_hbm.at[c].at[s].at[pl.ds(0, G)],
                    isrc.at[pl.ds(0, G)], isem).wait()
                pltpu.make_async_copy(
                    dst_hbm.at[s].at[pl.ds(0, G)],
                    idst.at[pl.ds(0, G)], isem).wait()

            @pl.when(nj < CPT)
            def _():
                pltpu.async_copy(
                    p_hbm.at[isrc.at[((nj // G) % 2) * G + (nj - (nj // G) * G)]],
                    buf.at[nj % NBUF], gsem)

            pltpu.async_copy(buf.at[j % NBUF], acc.at[idst.at[slot * G + gi]],
                             ssem, add=True)
            return carry

        lax.fori_loop(0, CPT, body, 0)
        pltpu.make_async_copy(buf.at[0], acc.at[idst.at[0]], ssem).wait()
        pltpu.make_async_copy(buf.at[0], acc.at[idst.at[0]], ssem).wait()
        plsc.subcore_barrier()
        sl = pl.ds(s * STRIPE, STRIPE)
        pltpu.sync_copy(acc.at[sl], out_acc.at[c].at[sl])

    @functools.partial(
        pl.kernel,
        mesh=mesh,
        out_type=jax.ShapeDtypeStruct((NC, NPAD, FH), jnp.float32),
        scratch_types=(
            pltpu.VMEM((CPT, CHUNK), jnp.int32),
            pltpu.VMEM((CHUNK, FH), jnp.float32),
            pltpu.VMEM_SHARED((NPAD, FH), jnp.float32),
            pltpu.SemaphoreType.DMA,
        ),
    )
    def kc(dst_hbm, z128_hbm, ones_hbm, out_cnt, idx_dst, ones_v, cnt, ssem):
        c = lax.axis_index("c")
        s = lax.axis_index("s")
        pltpu.sync_copy(z128_hbm, cnt.at[pl.ds(s * STRIPE, STRIPE)])
        pltpu.sync_copy(dst_hbm.at[s], idx_dst)
        pltpu.sync_copy(ones_hbm, ones_v)
        plsc.subcore_barrier()
        half = CPT // NC
        lo = c * half

        def body(j, carry):
            @pl.when(j >= lo + 4)
            def _():
                pltpu.make_async_copy(
                    ones_v, cnt.at[idx_dst.at[lo]], ssem).wait()

            pltpu.async_copy(ones_v, cnt.at[idx_dst.at[j]], ssem, add=True)
            return carry

        lax.fori_loop(lo, lo + half, body, 0)

        def drain(j, carry):
            pltpu.make_async_copy(ones_v, cnt.at[idx_dst.at[lo]], ssem).wait()
            return carry

        lax.fori_loop(0, 4, drain, 0)
        plsc.subcore_barrier()
        sl = pl.ds(s * STRIPE, STRIPE)
        pltpu.sync_copy(cnt.at[sl], out_cnt.at[c].at[sl])

    return k(pflat, src2, dst, z128), kc(dst, z128, ones_h)


def _mlp_body(acc_ref, cnt_ref, r_ref, bl_ref, waT_ref, ba_ref, w1T_ref,
              b1_ref, w2T_ref, b2_ref, w3T_ref, b3_ref, u_ref, v_ref):
    inv = 1.0 / jnp.maximum(cnt_ref[0, :, 0:1] + cnt_ref[1, :, 0:1], 1.0)
    h = jnp.concatenate([acc_ref[0] * inv, acc_ref[1] * inv], axis=1)
    h = jnp.maximum(h + bl_ref[...] + r_ref[...], 0.0)
    h = jnp.maximum(_dot(h, waT_ref[...]) + ba_ref[...], 0.0)
    h = jnp.maximum(_dot(h, w1T_ref[...]) + b1_ref[...], 0.0)
    h = jnp.maximum(_dot(h, w2T_ref[...]) + b2_ref[...], 0.0)
    z = _dot(h, w3T_ref[...]) + b3_ref[...]
    zc = z[:, :3]
    sq = jnp.sum(zc * zc, axis=1, keepdims=True)
    zh = zc.astype(jnp.bfloat16).astype(jnp.float32)
    zl = zc - zh
    sqh = sq.astype(jnp.bfloat16).astype(jnp.float32)
    sql = sq - sqh
    one = jnp.ones_like(sq)
    zero3 = jnp.zeros_like(zc)
    u_ref[...] = jnp.concatenate(
        [zh, zh, zl, sqh, sql, one, one, zero3], axis=1)
    v_ref[...] = jnp.concatenate(
        [-2.0 * zh, -2.0 * zl, -2.0 * zh, one, one, sqh, sql, zero3], axis=1)


def _mlp(acc, cnt, r, blv, waT, bav, w1T, b1v, w2T, b2v, w3T8, b3v):
    full = lambda shape: pl.BlockSpec(shape, lambda i: tuple(0 for _ in shape))
    return pl.pallas_call(
        _mlp_body,
        grid=(N // BM,),
        in_specs=[
            pl.BlockSpec((NC, BM, FH), lambda i: (0, i, 0)),
            pl.BlockSpec((NC, BM, FH), lambda i: (0, i, 0)),
            pl.BlockSpec((BM, 256), lambda i: (i, 0)),
            full((1, 256)),
            full((256, 128)), full((1, 128)),
            full((128, 64)), full((1, 64)),
            full((64, 32)), full((1, 32)),
            full((32, 8)), full((1, 8)),
        ],
        out_specs=[
            pl.BlockSpec((BM, 16), lambda i: (i, 0)),
            pl.BlockSpec((BM, 16), lambda i: (i, 0)),
        ],
        out_shape=[
            jax.ShapeDtypeStruct((N, 16), jnp.float32),
            jax.ShapeDtypeStruct((N, 16), jnp.float32),
        ],
    )(acc, cnt, r, blv, waT, bav, w1T, b1v, w2T, b2v, w3T8, b3v)


def _cdist_body(u_ref, v_ref, o_ref):
    d2 = lax.dot_general(u_ref[...], v_ref[...],
                         (((1,), (1,)), ((), ())),
                         preferred_element_type=jnp.float32)
    o_ref[...] = jnp.sqrt(jnp.maximum(d2, 1e-24))


def _cdist(u, v):
    return pl.pallas_call(
        _cdist_body,
        grid=(N // CB_M, pl.cdiv(N, CB_N)),
        in_specs=[
            pl.BlockSpec((CB_M, 16), lambda i, j: (i, 0)),
            pl.BlockSpec((CB_N, 16), lambda i, j: (j, 0)),
        ],
        out_specs=pl.BlockSpec((CB_M, CB_N), lambda i, j: (i, j)),
        out_shape=jax.ShapeDtypeStruct((N, N), jnp.float32),
    )(u, v)


def kernel(x, edge_index, Wl, bl, Wr, Wa, ba, W1, b1, W2, b2, W3, b3):
    ei = edge_index.astype(jnp.int32)
    src = ei[0]
    dst = ei[1]
    npd = EPAD - E
    pad_src = jnp.arange(npd, dtype=jnp.int32) % N
    pad_dst = N + (jnp.arange(npd, dtype=jnp.int32) % (NPAD - N))
    srcp = jnp.concatenate([src, pad_src]).reshape(NT, CPT, CHUNK)
    dstp = jnp.concatenate([dst, pad_dst]).reshape(NT, CPT, CHUNK)
    src2 = jnp.stack([srcp, srcp + N])

    p, r = _pre(x, Wl.T, Wr.T)
    pflat = p.reshape(NC * N, FH)

    z128 = jnp.zeros((STRIPE, FH), jnp.float32)
    ones_h = jnp.ones((CHUNK, FH), jnp.float32)
    acc, cnt = _sc_segment_sum(pflat, src2, dstp, z128, ones_h)

    blv = bl.reshape(1, 256)
    bav = ba.reshape(1, 128)
    b1v = b1.reshape(1, 64)
    b2v = b2.reshape(1, 32)
    w3T8 = jnp.concatenate([W3.T, jnp.zeros((32, 5), jnp.float32)], axis=1)
    b3v = jnp.concatenate([b3, jnp.zeros((5,), jnp.float32)]).reshape(1, 8)
    u, v = _mlp(acc, cnt, r,
                blv, Wa.T, bav, W1.T, b1v, W2.T, b2v, w3T8, b3v)
    return _cdist(u, v)

# --- scband reference (transcript-rebuilt; emitter-appended) ---
"""Pipeline reference for scband-smaller-net-26620207301224 (READ-ONLY COPY).

The authoritative reference and input builder live on the scoring server;
editing this copy changes nothing except your own understanding.
"""

import jax, jax.numpy as jnp
import numpy as np

N_NODES = 10000
N_EDGES = 160000


def setup_inputs(seed: int = 0) -> dict:
    key = jax.random.key(seed)
    ks = jax.random.split(key, 16)
    x = jax.random.normal(ks[0], (N_NODES, 512), dtype=jnp.float32)
    edge_index = jax.random.randint(ks[1], (2, N_EDGES), 0, N_NODES, dtype=jnp.int64)
    # SAGEConv(512, 256): lin_l (applied to aggregated neighbors, bias=True), lin_r (root, bias=False)
    Wl = jax.random.normal(ks[2], (256, 512), dtype=jnp.float32) * (1.0 / np.sqrt(512))
    bl = jnp.zeros((256,), dtype=jnp.float32)
    Wr = jax.random.normal(ks[3], (256, 512), dtype=jnp.float32) * (1.0 / np.sqrt(512))
    Wa = jax.random.normal(ks[4], (128, 256), dtype=jnp.float32) * (1.0 / np.sqrt(256))
    ba = jnp.zeros((128,), dtype=jnp.float32)
    W1 = jax.random.normal(ks[5], (64, 128), dtype=jnp.float32) * (1.0 / np.sqrt(128))
    b1 = jnp.zeros((64,), dtype=jnp.float32)
    W2 = jax.random.normal(ks[6], (32, 64), dtype=jnp.float32) * (1.0 / np.sqrt(64))
    b2 = jnp.zeros((32,), dtype=jnp.float32)
    W3 = jax.random.normal(ks[7], (3, 32), dtype=jnp.float32) * (1.0 / np.sqrt(32))
    b3 = jnp.zeros((3,), dtype=jnp.float32)
    return {"x": x, "edge_index": edge_index, "Wl": Wl, "bl": bl, "Wr": Wr,
            "Wa": Wa, "ba": ba, "W1": W1, "b1": b1, "W2": W2, "b2": b2,
            "W3": W3, "b3": b3}


def _sage_conv(x, edge_index, Wl, bl, Wr):
    src = edge_index[0]
    dst = edge_index[1]
    msgs = x[src]                                   # gather: [E, 512]
    agg_sum = jax.ops.segment_sum(msgs, dst, num_segments=N_NODES)
    cnt = jax.ops.segment_sum(jnp.ones((msgs.shape[0],), dtype=x.dtype), dst, num_segments=N_NODES)
    agg = agg_sum / jnp.clip(cnt, 1.0)[:, None]     # mean aggregation
    return agg @ Wl.T + bl + x @ Wr.T


def _cdist_self(z):
    sq = jnp.sum(z * z, axis=1)
    d2 = sq[:, None] + sq[None, :] - 2.0 * (z @ z.T)
    d2 = jnp.clip(d2, 1e-24)
    return jnp.sqrt(d2)


def reference(x, edge_index, Wl, bl, Wr, Wa, ba, W1, b1, W2, b2, W3, b3):
    h = _sage_conv(x, edge_index, Wl, bl, Wr)
    h = jax.nn.relu(h)
    h = jax.nn.relu(h @ Wa.T + ba)
    h = jax.nn.relu(h @ W1.T + b1)
    h = jax.nn.relu(h @ W2.T + b2)
    h = h @ W3.T + b3                                # [N, 3]
    return _cdist_self(h)                            # [N, N]

if __name__ == "__main__":
    import jax
    _d = setup_inputs()
    print(jax.jit(kernel)(*tuple(_d.values())))

</pallas_src>

<mosaic_0001>
#map = affine_map<(d0, d1) -> (0, 0, 0)>
#map1 = affine_map<(d0, d1) -> (0, 0)>
module attributes {stable_mosaic.version = 14 : i64} {
  func.func @kc(%arg0: i32, %arg1: i32, %arg2: memref<16x160x64xi32, #tpu.memory_space<hbm>>, %arg3: memref<640x128xf32, #tpu.memory_space<hbm>>, %arg4: memref<64x128xf32, #tpu.memory_space<hbm>>, %arg5: memref<2x10240x128xf32, #tpu.memory_space<hbm>>, %arg6: memref<160x64xi32, #tpu.memory_space<vmem>>, %arg7: memref<64x128xf32, #tpu.memory_space<vmem>>, %arg8: memref<10240x128xf32, #tpu.memory_space<vmem_shared>>, %arg9: memref<!tpu.dma_semaphore, #tpu.memory_space<semaphore_mem>>) attributes {dimension_semantics = [#tpu.dimension_semantics<core_parallel>, #tpu.dimension_semantics<subcore_parallel>], iteration_bounds = array<i64: 2, 16>, scalar_prefetch = 0 : i64, scratch_operands = 4 : i64, tpu.core_type = #tpu.core_type<sc_vector_subcore>, window_params = [{transform_indices = #map}, {transform_indices = #map1}, {transform_indices = #map1}, {transform_indices = #map}]} {
    %mul3A = arith.constant 640 : i32
    %mul3A_0 = arith.muli %arg1, %mul3A : i32
    "tpu.region"() ({
      %run_scoped3A = tpu.sem_alloc : memref<!tpu.dma_semaphore, #tpu.memory_space<semaphore_mem>>
      %dma_start3A = arith.constant 0 : i32
      %dma_start3A_20 = tpu.memref_slice %arg8[%mul3A_0, %dma_start3A] : memref<10240x128xf32, #tpu.memory_space<vmem_shared>> -> memref<640x128xf32, #tpu.memory_space<vmem_shared>>
      tpu.enqueue_dma source(%arg3 : memref<640x128xf32, #tpu.memory_space<hbm>>) target(%dma_start3A_20 : memref<640x128xf32, #tpu.memory_space<vmem_shared>>) target_semaphore(%run_scoped3A : memref<!tpu.dma_semaphore, #tpu.memory_space<semaphore_mem>>)
      %dma_wait3A = arith.constant 0 : i32
      %dma_wait3A_21 = tpu.memref_slice %arg8[%mul3A_0, %dma_wait3A] : memref<10240x128xf32, #tpu.memory_space<vmem_shared>> -> memref<640x128xf32, #tpu.memory_space<vmem_shared>>
      tpu.wait_dma2 semaphore(%run_scoped3A : memref<!tpu.dma_semaphore, #tpu.memory_space<semaphore_mem>>) src(%arg3 : memref<640x128xf32, #tpu.memory_space<hbm>>) dst(%dma_wait3A_21 : memref<640x128xf32, #tpu.memory_space<vmem_shared>>)
      tpu.yield
    }) : () -> ()
    "tpu.region"() ({
      %run_scoped3A = tpu.sem_alloc : memref<!tpu.dma_semaphore, #tpu.memory_space<semaphore_mem>>
      %dma_start3A = arith.constant 0 : i32
      %dma_start3A_20 = arith.constant 0 : i32
      %dma_start3A_21 = tpu.memref_slice %arg2[%arg1, %dma_start3A, %dma_start3A_20] : memref<16x160x64xi32, #tpu.memory_space<hbm>> -> memref<1x160x64xi32, #tpu.memory_space<hbm>>
      %dma_start3A_22 = tpu.memref_squeeze %dma_start3A_21 : memref<1x160x64xi32, #tpu.memory_space<hbm>> -> memref<160x64xi32, #tpu.memory_space<hbm>>
      %dma_start3A_23 = arith.constant 0 : i32
      %dma_start3A_24 = arith.constant 0 : i32
      %dma_start3A_25 = tpu.memref_slice %arg2[%arg1, %dma_start3A_23, %dma_start3A_24] : memref<16x160x64xi32, #tpu.memory_space<hbm>> -> memref<1x160x64xi32, #tpu.memory_space<hbm>>
      %dma_start3A_26 = tpu.memref_squeeze %dma_start3A_25 : memref<1x160x64xi32, #tpu.memory_space<hbm>> -> memref<160x64xi32, #tpu.memory_space<hbm>>
      tpu.enqueue_dma source(%dma_start3A_26 : memref<160x64xi32, #tpu.memory_space<hbm>>) target(%arg6 : memref<160x64xi32, #tpu.memory_space<vmem>>) target_semaphore(%run_scoped3A : memref<!tpu.dma_semaphore, #tpu.memory_space<semaphore_mem>>)
      %dma_wait3A = arith.constant 0 : i32
      %dma_wait3A_27 = arith.constant 0 : i32
      %dma_wait3A_28 = tpu.memref_slice %arg2[%arg1, %dma_wait3A, %dma_wait3A_27] : memref<16x160x64xi32, #tpu.memory_space<hbm>> -> memref<1x160x64xi32, #tpu.memory_space<hbm>>
      %dma_wait3A_29 = tpu.memref_squeeze %dma_wait3A_28 : memref<1x160x64xi32, #tpu.memory_space<hbm>> -> memref<160x64xi32, #tpu.memory_space<hbm>>
      %dma_wait3A_30 = arith.constant 0 : i32
      %dma_wait3A_31 = arith.constant 0 : i32
      %dma_wait3A_32 = tpu.memref_slice %arg2[%arg1, %dma_wait3A_30, %dma_wait3A_31] : memref<16x160x64xi32, #tpu.memory_space<hbm>> -> memref<1x160x64xi32, #tpu.memory_space<hbm>>
      %dma_wait3A_33 = tpu.memref_squeeze %dma_wait3A_32 : memref<1x160x64xi32, #tpu.memory_space<hbm>> -> memref<160x64xi32, #tpu.memory_space<hbm>>
      tpu.wait_dma2 semaphore(%run_scoped3A : memref<!tpu.dma_semaphore, #tpu.memory_space<semaphore_mem>>) src(%dma_wait3A_33 : memref<160x64xi32, #tpu.memory_space<hbm>>) dst(%arg6 : memref<160x64xi32, #tpu.memory_space<vmem>>)
      tpu.yield
    }) : () -> ()
    "tpu.region"() ({
      %run_scoped3A = tpu.sem_alloc : memref<!tpu.dma_semaphore, #tpu.memory_space<semaphore_mem>>
      tpu.enqueue_dma source(%arg4 : memref<64x128xf32, #tpu.memory_space<hbm>>) target(%arg7 : memref<64x128xf32, #tpu.memory_space<vmem>>) target_semaphore(%run_scoped3A : memref<!tpu.dma_semaphore, #tpu.memory_space<semaphore_mem>>)
      tpu.wait_dma2 semaphore(%run_scoped3A : memref<!tpu.dma_semaphore, #tpu.memory_space<semaphore_mem>>) src(%arg4 : memref<64x128xf32, #tpu.memory_space<hbm>>) dst(%arg7 : memref<64x128xf32, #tpu.memory_space<vmem>>)
      tpu.yield
    }) : () -> ()
    %barrier3A = arith.constant 0 : index
    tpu.barrier barrier_id(%barrier3A)
    %mul3A_1 = arith.constant 80 : i32
    %mul3A_2 = arith.muli %arg0, %mul3A_1 : i32
    %add3A = arith.constant 80 : i32
    %add3A_3 = arith.addi %mul3A_2, %add3A : i32
    %while3A = arith.constant 0 : i32
    %while3A_4 = arith.subi %add3A_3, %mul3A_2 : i32
    %while3A_5 = arith.addi %mul3A_2, %while3A_4 : i32
    %while3A_6 = arith.constant 1 : i32
    %while3A_7 = arith.divsi %while3A_4, %while3A_6 : i32
    %while3A_8 = arith.muli %while3A_7, %while3A_6 : i32
    %while3A_9 = arith.addi %mul3A_2, %while3A_8 : i32
    %while3A_10 = arith.constant 1 : i32
    scf.for %while3A_20 = %mul3A_2 to %while3A_9 step %while3A_10  : i32 {
      %add3A_21 = arith.constant 4 : i32
      %add3A_22 = arith.addi %mul3A_2, %add3A_21 : i32
      %ge3A = arith.cmpi sge, %while3A_20, %add3A_22 : i32
      %convert_element_type3A = arith.extui %ge3A : i1 to i32
      %cond3A = arith.constant 0 : i32
      %cond3A_23 = arith.cmpi ne, %convert_element_type3A, %cond3A : i32
      scf.if %cond3A_23 {
        %dma_wait3A = arith.constant 0 : i32
        %dma_wait3A_29 = tpu.memref_slice %arg6[%mul3A_2, %dma_wait3A] : memref<160x64xi32, #tpu.memory_space<vmem>> -> memref<1x64xi32, #tpu.memory_space<vmem>>
        %dma_wait3A_30 = tpu.memref_squeeze %dma_wait3A_29 : memref<1x64xi32, #tpu.memory_space<vmem>> -> memref<64xi32, #tpu.memory_space<vmem>>
        %dma_wait3A_31 = arith.constant 0 : i32
        %dma_wait3A_32 = arith.constant 0 : i32
        %dma_wait3A_33 = tpu.memref_slice %arg8[%dma_wait3A_31, %dma_wait3A_32] : memref<10240x128xf32, #tpu.memory_space<vmem_shared>> -> memref<10240x128xf32, #tpu.memory_space<vmem_shared>>
        tpu.wait_indirect_dma semaphore(%arg9 : memref<!tpu.dma_semaphore, #tpu.memory_space<semaphore_mem>>) src(%arg7 : memref<64x128xf32, #tpu.memory_space<vmem>>) dst(%dma_wait3A_33 : memref<10240x128xf32, #tpu.memory_space<vmem_shared>>)
      } else {
      }
      %dma_start3A = arith.constant 0 : i32
      %dma_start3A_24 = tpu.memref_slice %arg6[%while3A_20, %dma_start3A] : memref<160x64xi32, #tpu.memory_space<vmem>> -> memref<1x64xi32, #tpu.memory_space<vmem>>
      %dma_start3A_25 = tpu.memref_squeeze %dma_start3A_24 : memref<1x64xi32, #tpu.memory_space<vmem>> -> memref<64xi32, #tpu.memory_space<vmem>>
      %dma_start3A_26 = arith.constant 0 : i32
      %dma_start3A_27 = arith.constant 0 : i32
      %dma_start3A_28 = tpu.memref_slice %arg8[%dma_start3A_26, %dma_start3A_27] : memref<10240x128xf32, #tpu.memory_space<vmem_shared>> -> memref<10240x128xf32, #tpu.memory_space<vmem_shared>>
      tpu.enqueue_indirect_dma source(%arg7 : memref<64x128xf32, #tpu.memory_space<vmem>>) target(%dma_start3A_28 : memref<10240x128xf32, #tpu.memory_space<vmem_shared>>) offsets(%dma_start3A_25 : memref<64xi32, #tpu.memory_space<vmem>>) semaphore(%arg9 : memref<!tpu.dma_semaphore, #tpu.memory_space<semaphore_mem>>) {add = true}
    }
    %while3A_11 = arith.constant 1 : i32
    scf.for %while3A_20 = %while3A_9 to %while3A_5 step %while3A_11  : i32 {
      %add3A_21 = arith.constant 4 : i32
      %add3A_22 = arith.addi %mul3A_2, %add3A_21 : i32
      %ge3A = arith.cmpi sge, %while3A_20, %add3A_22 : i32
      %convert_element_type3A = arith.extui %ge3A : i1 to i32
      %cond3A = arith.constant 0 : i32
      %cond3A_23 = arith.cmpi ne, %convert_element_type3A, %cond3A : i32
      scf.if %cond3A_23 {
        %dma_wait3A = arith.constant 0 : i32
        %dma_wait3A_29 = tpu.memref_slice %arg6[%mul3A_2, %dma_wait3A] : memref<160x64xi32, #tpu.memory_space<vmem>> -> memref<1x64xi32, #tpu.memory_space<vmem>>
        %dma_wait3A_30 = tpu.memref_squeeze %dma_wait3A_29 : memref<1x64xi32, #tpu.memory_space<vmem>> -> memref<64xi32, #tpu.memory_space<vmem>>
        %dma_wait3A_31 = arith.constant 0 : i32
        %dma_wait3A_32 = arith.constant 0 : i32
        %dma_wait3A_33 = tpu.memref_slice %arg8[%dma_wait3A_31, %dma_wait3A_32] : memref<10240x128xf32, #tpu.memory_space<vmem_shared>> -> memref<10240x128xf32, #tpu.memory_space<vmem_shared>>
        tpu.wait_indirect_dma semaphore(%arg9 : memref<!tpu.dma_semaphore, #tpu.memory_space<semaphore_mem>>) src(%arg7 : memref<64x128xf32, #tpu.memory_space<vmem>>) dst(%dma_wait3A_33 : memref<10240x128xf32, #tpu.memory_space<vmem_shared>>)
      } else {
      }
      %dma_start3A = arith.constant 0 : i32
      %dma_start3A_24 = tpu.memref_slice %arg6[%while3A_20, %dma_start3A] : memref<160x64xi32, #tpu.memory_space<vmem>> -> memref<1x64xi32, #tpu.memory_space<vmem>>
      %dma_start3A_25 = tpu.memref_squeeze %dma_start3A_24 : memref<1x64xi32, #tpu.memory_space<vmem>> -> memref<64xi32, #tpu.memory_space<vmem>>
      %dma_start3A_26 = arith.constant 0 : i32
      %dma_start3A_27 = arith.constant 0 : i32
      %dma_start3A_28 = tpu.memref_slice %arg8[%dma_start3A_26, %dma_start3A_27] : memref<10240x128xf32, #tpu.memory_space<vmem_shared>> -> memref<10240x128xf32, #tpu.memory_space<vmem_shared>>
      tpu.enqueue_indirect_dma source(%arg7 : memref<64x128xf32, #tpu.memory_space<vmem>>) target(%dma_start3A_28 : memref<10240x128xf32, #tpu.memory_space<vmem_shared>>) offsets(%dma_start3A_25 : memref<64xi32, #tpu.memory_space<vmem>>) semaphore(%arg9 : memref<!tpu.dma_semaphore, #tpu.memory_space<semaphore_mem>>) {add = true}
    }
    %scan3A = arith.constant 0 : i32
    %scan3A_12 = arith.constant 0 : i32
    %scan3A_13 = arith.constant 4 : i32
    %scan3A_14 = arith.addi %scan3A_12, %scan3A_13 : i32
    %scan3A_15 = arith.constant 1 : i32
    scf.for %scan3A_20 = %scan3A_12 to %scan3A_14 step %scan3A_15  : i32 {
      %dma_wait3A = arith.constant 0 : i32
      %dma_wait3A_21 = tpu.memref_slice %arg6[%mul3A_2, %dma_wait3A] : memref<160x64xi32, #tpu.memory_space<vmem>> -> memref<1x64xi32, #tpu.memory_space<vmem>>
      %dma_wait3A_22 = tpu.memref_squeeze %dma_wait3A_21 : memref<1x64xi32, #tpu.memory_space<vmem>> -> memref<64xi32, #tpu.memory_space<vmem>>
      %dma_wait3A_23 = arith.constant 0 : i32
      %dma_wait3A_24 = arith.constant 0 : i32
      %dma_wait3A_25 = tpu.memref_slice %arg8[%dma_wait3A_23, %dma_wait3A_24] : memref<10240x128xf32, #tpu.memory_space<vmem_shared>> -> memref<10240x128xf32, #tpu.memory_space<vmem_shared>>
      tpu.wait_indirect_dma semaphore(%arg9 : memref<!tpu.dma_semaphore, #tpu.memory_space<semaphore_mem>>) src(%arg7 : memref<64x128xf32, #tpu.memory_space<vmem>>) dst(%dma_wait3A_25 : memref<10240x128xf32, #tpu.memory_space<vmem_shared>>)
    }
    %scan3A_16 = arith.constant 4 : i32
    %barrier3A_17 = arith.constant 0 : index
    tpu.barrier barrier_id(%barrier3A_17)
    %mul3A_18 = arith.constant 640 : i32
    %mul3A_19 = arith.muli %arg1, %mul3A_18 : i32
    "tpu.region"() ({
      %run_scoped3A = tpu.sem_alloc : memref<!tpu.dma_semaphore, #tpu.memory_space<semaphore_mem>>
      %dma_start3A = arith.constant 0 : i32
      %dma_start3A_20 = arith.constant 0 : i32
      %dma_start3A_21 = tpu.memref_slice %arg5[%arg0, %dma_start3A, %dma_start3A_20] : memref<2x10240x128xf32, #tpu.memory_space<hbm>> -> memref<1x10240x128xf32, #tpu.memory_space<hbm>>
      %dma_start3A_22 = tpu.memref_squeeze %dma_start3A_21 : memref<1x10240x128xf32, #tpu.memory_space<hbm>> -> memref<10240x128xf32, #tpu.memory_space<hbm>>
      %dma_start3A_23 = arith.constant 0 : i32
      %dma_start3A_24 = tpu.memref_slice %dma_start3A_22[%mul3A_19, %dma_start3A_23] : memref<10240x128xf32, #tpu.memory_space<hbm>> -> memref<640x128xf32, #tpu.memory_space<hbm>>
      %dma_start3A_25 = arith.constant 0 : i32
      %dma_start3A_26 = tpu.memref_slice %arg8[%mul3A_19, %dma_start3A_25] : memref<10240x128xf32, #tpu.memory_space<vmem_shared>> -> memref<640x128xf32, #tpu.memory_space<vmem_shared>>
      tpu.enqueue_dma source(%dma_start3A_26 : memref<640x128xf32, #tpu.memory_space<vmem_shared>>) target(%dma_start3A_24 : memref<640x128xf32, #tpu.memory_space<hbm>>) target_semaphore(%run_scoped3A : memref<!tpu.dma_semaphore, #tpu.memory_space<semaphore_mem>>)
      %dma_wait3A = arith.constant 0 : i32
      %dma_wait3A_27 = arith.constant 0 : i32
      %dma_wait3A_28 = tpu.memref_slice %arg5[%arg0, %dma_wait3A, %dma_wait3A_27] : memref<2x10240x128xf32, #tpu.memory_space<hbm>> -> memref<1x10240x128xf32, #tpu.memory_space<hbm>>
      %dma_wait3A_29 = tpu.memref_squeeze %dma_wait3A_28 : memref<1x10240x128xf32, #tpu.memory_space<hbm>> -> memref<10240x128xf32, #tpu.memory_space<hbm>>
      %dma_wait3A_30 = arith.constant 0 : i32
      %dma_wait3A_31 = tpu.memref_slice %dma_wait3A_29[%mul3A_19, %dma_wait3A_30] : memref<10240x128xf32, #tpu.memory_space<hbm>> -> memref<640x128xf32, #tpu.memory_space<hbm>>
      %dma_wait3A_32 = arith.constant 0 : i32
      %dma_wait3A_33 = tpu.memref_slice %arg8[%mul3A_19, %dma_wait3A_32] : memref<10240x128xf32, #tpu.memory_space<vmem_shared>> -> memref<640x128xf32, #tpu.memory_space<vmem_shared>>
      tpu.wait_dma2 semaphore(%run_scoped3A : memref<!tpu.dma_semaphore, #tpu.memory_space<semaphore_mem>>) src(%dma_wait3A_33 : memref<640x128xf32, #tpu.memory_space<vmem_shared>>) dst(%dma_wait3A_31 : memref<640x128xf32, #tpu.memory_space<hbm>>)
      tpu.yield
    }) : () -> ()
    return
  }
}

#map = affine_map<(d0, d1) -> (0, 0)>
#map1 = affine_map<(d0, d1) -> (0, 0, 0, 0)>
#map2 = affine_map<(d0, d1) -> (0, 0, 0)>
module attributes {stable_mosaic.version = 14 : i64} {
  func.func @k(%arg0: i32, %arg1: i32, %arg2: memref<20000x128xf32, #tpu.memory_space<hbm>>, %arg3: memref<2x16x160x64xi32, #tpu.memory_space<hbm>>, %arg4: memref<16x160x64xi32, #tpu.memory_space<hbm>>, %arg5: memref<640x128xf32, #tpu.memory_space<hbm>>, %arg6: memref<2x10240x128xf32, #tpu.memory_space<hbm>>, %arg7: memref<64x64xi32, #tpu.memory_space<vmem>>, %arg8: memref<64x64xi32, #tpu.memory_space<vmem>>, %arg9: memref<4x64x128xf32, #tpu.memory_space<vmem>>, %arg10: memref<10240x128xf32, #tpu.memory_space<vmem_shared>>, %arg11: memref<!tpu.dma_semaphore, #tpu.memory_space<semaphore_mem>>, %arg12: memref<!tpu.dma_semaphore, #tpu.memory_space<semaphore_mem>>, %arg13: memref<!tpu.dma_semaphore, #tpu.memory_space<semaphore_mem>>) attributes {dimension_semantics = [#tpu.dimension_semantics<core_parallel>, #tpu.dimension_semantics<subcore_parallel>], iteration_bounds = array<i64: 2, 16>, scalar_prefetch = 0 : i64, scratch_operands = 7 : i64, tpu.core_type = #tpu.core_type<sc_vector_subcore>, window_params = [{transform_indices = #map}, {transform_indices = #map1}, {transform_indices = #map2}, {transform_indices = #map}, {transform_indices = #map2}]} {
    %mul3A = arith.constant 640 : i32
    %mul3A_0 = arith.muli %arg1, %mul3A : i32
    "tpu.region"() ({
      %run_scoped3A = tpu.sem_alloc : memref<!tpu.dma_semaphore, #tpu.memory_space<semaphore_mem>>
      %dma_start3A_55 = arith.constant 0 : i32
      %dma_start3A_56 = tpu.memref_slice %arg10[%mul3A_0, %dma_start3A_55] : memref<10240x128xf32, #tpu.memory_space<vmem_shared>> -> memref<640x128xf32, #tpu.memory_space<vmem_shared>>
      tpu.enqueue_dma source(%arg5 : memref<640x128xf32, #tpu.memory_space<hbm>>) target(%dma_start3A_56 : memref<640x128xf32, #tpu.memory_space<vmem_shared>>) target_semaphore(%run_scoped3A : memref<!tpu.dma_semaphore, #tpu.memory_space<semaphore_mem>>)
      %dma_wait3A_57 = arith.constant 0 : i32
      %dma_wait3A_58 = tpu.memref_slice %arg10[%mul3A_0, %dma_wait3A_57] : memref<10240x128xf32, #tpu.memory_space<vmem_shared>> -> memref<640x128xf32, #tpu.memory_space<vmem_shared>>
      tpu.wait_dma2 semaphore(%run_scoped3A : memref<!tpu.dma_semaphore, #tpu.memory_space<semaphore_mem>>) src(%arg5 : memref<640x128xf32, #tpu.memory_space<hbm>>) dst(%dma_wait3A_58 : memref<640x128xf32, #tpu.memory_space<vmem_shared>>)
      tpu.yield
    }) : () -> ()
    "tpu.region"() ({
      %run_scoped3A = tpu.sem_alloc : memref<!tpu.dma_semaphore, #tpu.memory_space<semaphore_mem>>
      %dma_start3A_55 = arith.constant 0 : i32
      %dma_start3A_56 = arith.constant 0 : i32
      %dma_start3A_57 = tpu.memref_slice %arg7[%dma_start3A_55, %dma_start3A_56] : memref<64x64xi32, #tpu.memory_space<vmem>> -> memref<32x64xi32, #tpu.memory_space<vmem>>
      %dma_start3A_58 = arith.constant 0 : i32
      %dma_start3A_59 = arith.constant 0 : i32
      %dma_start3A_60 = arith.constant 0 : i32
      %dma_start3A_61 = tpu.memref_slice %arg3[%arg0, %dma_start3A_58, %dma_start3A_59, %dma_start3A_60] : memref<2x16x160x64xi32, #tpu.memory_space<hbm>> -> memref<1x16x160x64xi32, #tpu.memory_space<hbm>>
      %dma_start3A_62 = tpu.memref_squeeze %dma_start3A_61 : memref<1x16x160x64xi32, #tpu.memory_space<hbm>> -> memref<16x160x64xi32, #tpu.memory_space<hbm>>
      %dma_start3A_63 = arith.constant 0 : i32
      %dma_start3A_64 = arith.constant 0 : i32
      %dma_start3A_65 = tpu.memref_slice %dma_start3A_62[%arg1, %dma_start3A_63, %dma_start3A_64] : memref<16x160x64xi32, #tpu.memory_space<hbm>> -> memref<1x160x64xi32, #tpu.memory_space<hbm>>
      %dma_start3A_66 = tpu.memref_squeeze %dma_start3A_65 : memref<1x160x64xi32, #tpu.memory_space<hbm>> -> memref<160x64xi32, #tpu.memory_space<hbm>>
      %dma_start3A_67 = arith.constant 0 : i32
      %dma_start3A_68 = arith.constant 0 : i32
      %dma_start3A_69 = tpu.memref_slice %dma_start3A_66[%dma_start3A_67, %dma_start3A_68] : memref<160x64xi32, #tpu.memory_space<hbm>> -> memref<32x64xi32, #tpu.memory_space<hbm>>
      %dma_start3A_70 = arith.constant 0 : i32
      %dma_start3A_71 = arith.constant 0 : i32
      %dma_start3A_72 = tpu.memref_slice %arg7[%dma_start3A_70, %dma_start3A_71] : memref<64x64xi32, #tpu.memory_space<vmem>> -> memref<32x64xi32, #tpu.memory_space<vmem>>
      %dma_start3A_73 = arith.constant 0 : i32
      %dma_start3A_74 = arith.constant 0 : i32
      %dma_start3A_75 = arith.constant 0 : i32
      %dma_start3A_76 = tpu.memref_slice %arg3[%arg0, %dma_start3A_73, %dma_start3A_74, %dma_start3A_75] : memref<2x16x160x64xi32, #tpu.memory_space<hbm>> -> memref<1x16x160x64xi32, #tpu.memory_space<hbm>>
      %dma_start3A_77 = tpu.memref_squeeze %dma_start3A_76 : memref<1x16x160x64xi32, #tpu.memory_space<hbm>> -> memref<16x160x64xi32, #tpu.memory_space<hbm>>
      %dma_start3A_78 = arith.constant 0 : i32
      %dma_start3A_79 = arith.constant 0 : i32
      %dma_start3A_80 = tpu.memref_slice %dma_start3A_77[%arg1, %dma_start3A_78, %dma_start3A_79] : memref<16x160x64xi32, #tpu.memory_space<hbm>> -> memref<1x160x64xi32, #tpu.memory_space<hbm>>
      %dma_start3A_81 = tpu.memref_squeeze %dma_start3A_80 : memref<1x160x64xi32, #tpu.memory_space<hbm>> -> memref<160x64xi32, #tpu.memory_space<hbm>>
      %dma_start3A_82 = arith.constant 0 : i32
      %dma_start3A_83 = arith.constant 0 : i32
      %dma_start3A_84 = tpu.memref_slice %dma_start3A_81[%dma_start3A_82, %dma_start3A_83] : memref<160x64xi32, #tpu.memory_space<hbm>> -> memref<32x64xi32, #tpu.memory_space<hbm>>
      tpu.enqueue_dma source(%dma_start3A_84 : memref<32x64xi32, #tpu.memory_space<hbm>>) target(%dma_start3A_72 : memref<32x64xi32, #tpu.memory_space<vmem>>) target_semaphore(%run_scoped3A : memref<!tpu.dma_semaphore, #tpu.memory_space<semaphore_mem>>)
      %dma_wait3A_85 = arith.constant 0 : i32
      %dma_wait3A_86 = arith.constant 0 : i32
      %dma_wait3A_87 = tpu.memref_slice %arg7[%dma_wait3A_85, %dma_wait3A_86] : memref<64x64xi32, #tpu.memory_space<vmem>> -> memref<32x64xi32, #tpu.memory_space<vmem>>
      %dma_wait3A_88 = arith.constant 0 : i32
      %dma_wait3A_89 = arith.constant 0 : i32
      %dma_wait3A_90 = arith.constant 0 : i32
      %dma_wait3A_91 = tpu.memref_slice %arg3[%arg0, %dma_wait3A_88, %dma_wait3A_89, %dma_wait3A_90] : memref<2x16x160x64xi32, #tpu.memory_space<hbm>> -> memref<1x16x160x64xi32, #tpu.memory_space<hbm>>
      %dma_wait3A_92 = tpu.memref_squeeze %dma_wait3A_91 : memref<1x16x160x64xi32, #tpu.memory_space<hbm>> -> memref<16x160x64xi32, #tpu.memory_space<hbm>>
      %dma_wait3A_93 = arith.constant 0 : i32
      %dma_wait3A_94 = arith.constant 0 : i32
      %dma_wait3A_95 = tpu.memref_slice %dma_wait3A_92[%arg1, %dma_wait3A_93, %dma_wait3A_94] : memref<16x160x64xi32, #tpu.memory_space<hbm>> -> memref<1x160x64xi32, #tpu.memory_space<hbm>>
      %dma_wait3A_96 = tpu.memref_squeeze %dma_wait3A_95 : memref<1x160x64xi32, #tpu.memory_space<hbm>> -> memref<160x64xi32, #tpu.memory_space<hbm>>
      %dma_wait3A_97 = arith.constant 0 : i32
      %dma_wait3A_98 = arith.constant 0 : i32
      %dma_wait3A_99 = tpu.memref_slice %dma_wait3A_96[%dma_wait3A_97, %dma_wait3A_98] : memref<160x64xi32, #tpu.memory_space<hbm>> -> memref<32x64xi32, #tpu.memory_space<hbm>>
      %dma_wait3A_100 = arith.constant 0 : i32
      %dma_wait3A_101 = arith.constant 0 : i32
      %dma_wait3A_102 = tpu.memref_slice %arg7[%dma_wait3A_100, %dma_wait3A_101] : memref<64x64xi32, #tpu.memory_space<vmem>> -> memref<32x64xi32, #tpu.memory_space<vmem>>
      %dma_wait3A_103 = arith.constant 0 : i32
      %dma_wait3A_104 = arith.constant 0 : i32
      %dma_wait3A_105 = arith.constant 0 : i32
      %dma_wait3A_106 = tpu.memref_slice %arg3[%arg0, %dma_wait3A_103, %dma_wait3A_104, %dma_wait3A_105] : memref<2x16x160x64xi32, #tpu.memory_space<hbm>> -> memref<1x16x160x64xi32, #tpu.memory_space<hbm>>
      %dma_wait3A_107 = tpu.memref_squeeze %dma_wait3A_106 : memref<1x16x160x64xi32, #tpu.memory_space<hbm>> -> memref<16x160x64xi32, #tpu.memory_space<hbm>>
      %dma_wait3A_108 = arith.constant 0 : i32
      %dma_wait3A_109 = arith.constant 0 : i32
      %dma_wait3A_110 = tpu.memref_slice %dma_wait3A_107[%arg1, %dma_wait3A_108, %dma_wait3A_109] : memref<16x160x64xi32, #tpu.memory_space<hbm>> -> memref<1x160x64xi32, #tpu.memory_space<hbm>>
      %dma_wait3A_111 = tpu.memref_squeeze %dma_wait3A_110 : memref<1x160x64xi32, #tpu.memory_space<hbm>> -> memref<160x64xi32, #tpu.memory_space<hbm>>
      %dma_wait3A_112 = arith.constant 0 : i32
      %dma_wait3A_113 = arith.constant 0 : i32
      %dma_wait3A_114 = tpu.memref_slice %dma_wait3A_111[%dma_wait3A_112, %dma_wait3A_113] : memref<160x64xi32, #tpu.memory_space<hbm>> -> memref<32x64xi32, #tpu.memory_space<hbm>>
      tpu.wait_dma2 semaphore(%run_scoped3A : memref<!tpu.dma_semaphore, #tpu.memory_space<semaphore_mem>>) src(%dma_wait3A_114 : memref<32x64xi32, #tpu.memory_space<hbm>>) dst(%dma_wait3A_102 : memref<32x64xi32, #tpu.memory_space<vmem>>)
      tpu.yield
    }) : () -> ()
    "tpu.region"() ({
      %run_scoped3A = tpu.sem_alloc : memref<!tpu.dma_semaphore, #tpu.memory_space<semaphore_mem>>
      %dma_start3A_55 = arith.constant 0 : i32
      %dma_start3A_56 = arith.constant 0 : i32
      %dma_start3A_57 = tpu.memref_slice %arg8[%dma_start3A_55, %dma_start3A_56] : memref<64x64xi32, #tpu.memory_space<vmem>> -> memref<32x64xi32, #tpu.memory_space<vmem>>
      %dma_start3A_58 = arith.constant 0 : i32
      %dma_start3A_59 = arith.constant 0 : i32
      %dma_start3A_60 = tpu.memref_slice %arg4[%arg1, %dma_start3A_58, %dma_start3A_59] : memref<16x160x64xi32, #tpu.memory_space<hbm>> -> memref<1x160x64xi32, #tpu.memory_space<hbm>>
      %dma_start3A_61 = tpu.memref_squeeze %dma_start3A_60 : memref<1x160x64xi32, #tpu.memory_space<hbm>> -> memref<160x64xi32, #tpu.memory_space<hbm>>
      %dma_start3A_62 = arith.constant 0 : i32
      %dma_start3A_63 = arith.constant 0 : i32
      %dma_start3A_64 = tpu.memref_slice %dma_start3A_61[%dma_start3A_62, %dma_start3A_63] : memref<160x64xi32, #tpu.memory_space<hbm>> -> memref<32x64xi32, #tpu.memory_space<hbm>>
      %dma_start3A_65 = arith.constant 0 : i32
      %dma_start3A_66 = arith.constant 0 : i32
      %dma_start3A_67 = tpu.memref_slice %arg8[%dma_start3A_65, %dma_start3A_66] : memref<64x64xi32, #tpu.memory_space<vmem>> -> memref<32x64xi32, #tpu.memory_space<vmem>>
      %dma_start3A_68 = arith.constant 0 : i32
      %dma_start3A_69 = arith.constant 0 : i32
      %dma_start3A_70 = tpu.memref_slice %arg4[%arg1, %dma_start3A_68, %dma_start3A_69] : memref<16x160x64xi32, #tpu.memory_space<hbm>> -> memref<1x160x64xi32, #tpu.memory_space<hbm>>
      %dma_start3A_71 = tpu.memref_squeeze %dma_start3A_70 : memref<1x160x64xi32, #tpu.memory_space<hbm>> -> memref<160x64xi32, #tpu.memory_space<hbm>>
      %dma_start3A_72 = arith.constant 0 : i32
      %dma_start3A_73 = arith.constant 0 : i32
      %dma_start3A_74 = tpu.memref_slice %dma_start3A_71[%dma_start3A_72, %dma_start3A_73] : memref<160x64xi32, #tpu.memory_space<hbm>> -> memref<32x64xi32, #tpu.memory_space<hbm>>
      tpu.enqueue_dma source(%dma_start3A_74 : memref<32x64xi32, #tpu.memory_space<hbm>>) target(%dma_start3A_67 : memref<32x64xi32, #tpu.memory_space<vmem>>) target_semaphore(%run_scoped3A : memref<!tpu.dma_semaphore, #tpu.memory_space<semaphore_mem>>)
      %dma_wait3A_75 = arith.constant 0 : i32
      %dma_wait3A_76 = arith.constant 0 : i32
      %dma_wait3A_77 = tpu.memref_slice %arg8[%dma_wait3A_75, %dma_wait3A_76] : memref<64x64xi32, #tpu.memory_space<vmem>> -> memref<32x64xi32, #tpu.memory_space<vmem>>
      %dma_wait3A_78 = arith.constant 0 : i32
      %dma_wait3A_79 = arith.constant 0 : i32
      %dma_wait3A_80 = tpu.memref_slice %arg4[%arg1, %dma_wait3A_78, %dma_wait3A_79] : memref<16x160x64xi32, #tpu.memory_space<hbm>> -> memref<1x160x64xi32, #tpu.memory_space<hbm>>
      %dma_wait3A_81 = tpu.memref_squeeze %dma_wait3A_80 : memref<1x160x64xi32, #tpu.memory_space<hbm>> -> memref<160x64xi32, #tpu.memory_space<hbm>>
      %dma_wait3A_82 = arith.constant 0 : i32
      %dma_wait3A_83 = arith.constant 0 : i32
      %dma_wait3A_84 = tpu.memref_slice %dma_wait3A_81[%dma_wait3A_82, %dma_wait3A_83] : memref<160x64xi32, #tpu.memory_space<hbm>> -> memref<32x64xi32, #tpu.memory_space<hbm>>
      %dma_wait3A_85 = arith.constant 0 : i32
      %dma_wait3A_86 = arith.constant 0 : i32
      %dma_wait3A_87 = tpu.memref_slice %arg8[%dma_wait3A_85, %dma_wait3A_86] : memref<64x64xi32, #tpu.memory_space<vmem>> -> memref<32x64xi32, #tpu.memory_space<vmem>>
      %dma_wait3A_88 = arith.constant 0 : i32
      %dma_wait3A_89 = arith.constant 0 : i32
      %dma_wait3A_90 = tpu.memref_slice %arg4[%arg1, %dma_wait3A_88, %dma_wait3A_89] : memref<16x160x64xi32, #tpu.memory_space<hbm>> -> memref<1x160x64xi32, #tpu.memory_space<hbm>>
      %dma_wait3A_91 = tpu.memref_squeeze %dma_wait3A_90 : memref<1x160x64xi32, #tpu.memory_space<hbm>> -> memref<160x64xi32, #tpu.memory_space<hbm>>
      %dma_wait3A_92 = arith.constant 0 : i32
      %dma_wait3A_93 = arith.constant 0 : i32
      %dma_wait3A_94 = tpu.memref_slice %dma_wait3A_91[%dma_wait3A_92, %dma_wait3A_93] : memref<160x64xi32, #tpu.memory_space<hbm>> -> memref<32x64xi32, #tpu.memory_space<hbm>>
      tpu.wait_dma2 semaphore(%run_scoped3A : memref<!tpu.dma_semaphore, #tpu.memory_space<semaphore_mem>>) src(%dma_wait3A_94 : memref<32x64xi32, #tpu.memory_space<hbm>>) dst(%dma_wait3A_87 : memref<32x64xi32, #tpu.memory_space<vmem>>)
      tpu.yield
    }) : () -> ()
    %barrier3A = arith.constant 0 : index
    tpu.barrier barrier_id(%barrier3A)
    %dma_start3A = arith.constant 0 : i32
    %dma_start3A_1 = arith.constant 0 : i32
    %dma_start3A_2 = arith.constant 0 : i32
    %dma_start3A_3 = arith.constant 0 : i32
    %dma_start3A_4 = tpu.memref_slice %arg9[%dma_start3A_1, %dma_start3A_2, %dma_start3A_3] : memref<4x64x128xf32, #tpu.memory_space<vmem>> -> memref<1x64x128xf32, #tpu.memory_space<vmem>>
    %dma_start3A_5 = tpu.memref_squeeze %dma_start3A_4 : memref<1x64x128xf32, #tpu.memory_space<vmem>> -> memref<64x128xf32, #tpu.memory_space<vmem>>
    %dma_start3A_6 = arith.constant 0 : i32
    %dma_start3A_7 = tpu.memref_slice %arg7[%dma_start3A, %dma_start3A_6] : memref<64x64xi32, #tpu.memory_space<vmem>> -> memref<1x64xi32, #tpu.memory_space<vmem>>
    %dma_start3A_8 = tpu.memref_squeeze %dma_start3A_7 : memref<1x64xi32, #tpu.memory_space<vmem>> -> memref<64xi32, #tpu.memory_space<vmem>>
    %dma_start3A_9 = arith.constant 0 : i32
    %dma_start3A_10 = arith.constant 0 : i32
    %dma_start3A_11 = tpu.memref_slice %arg2[%dma_start3A_9, %dma_start3A_10] : memref<20000x128xf32, #tpu.memory_space<hbm>> -> memref<20000x128xf32, #tpu.memory_space<hbm>>
    tpu.enqueue_indirect_dma source(%dma_start3A_11 : memref<20000x128xf32, #tpu.memory_space<hbm>>) target(%dma_start3A_5 : memref<64x128xf32, #tpu.memory_space<vmem>>) offsets(%dma_start3A_8 : memref<64xi32, #tpu.memory_space<vmem>>) semaphore(%arg11 : memref<!tpu.dma_semaphore, #tpu.memory_space<semaphore_mem>>)
    %dma_start3A_12 = arith.constant 1 : i32
    %dma_start3A_13 = arith.constant 1 : i32
    %dma_start3A_14 = arith.constant 0 : i32
    %dma_start3A_15 = arith.constant 0 : i32
    %dma_start3A_16 = tpu.memref_slice %arg9[%dma_start3A_13, %dma_start3A_14, %dma_start3A_15] : memref<4x64x128xf32, #tpu.memory_space<vmem>> -> memref<1x64x128xf32, #tpu.memory_space<vmem>>
    %dma_start3A_17 = tpu.memref_squeeze %dma_start3A_16 : memref<1x64x128xf32, #tpu.memory_space<vmem>> -> memref<64x128xf32, #tpu.memory_space<vmem>>
    %dma_start3A_18 = arith.constant 0 : i32
    %dma_start3A_19 = tpu.memref_slice %arg7[%dma_start3A_12, %dma_start3A_18] : memref<64x64xi32, #tpu.memory_space<vmem>> -> memref<1x64xi32, #tpu.memory_space<vmem>>
    %dma_start3A_20 = tpu.memref_squeeze %dma_start3A_19 : memref<1x64xi32, #tpu.memory_space<vmem>> -> memref<64xi32, #tpu.memory_space<vmem>>
    %dma_start3A_21 = arith.constant 0 : i32
    %dma_start3A_22 = arith.constant 0 : i32
    %dma_start3A_23 = tpu.memref_slice %arg2[%dma_start3A_21, %dma_start3A_22] : memref<20000x128xf32, #tpu.memory_space<hbm>> -> memref<20000x128xf32, #tpu.memory_space<hbm>>
    tpu.enqueue_indirect_dma source(%dma_start3A_23 : memref<20000x128xf32, #tpu.memory_space<hbm>>) target(%dma_start3A_17 : memref<64x128xf32, #tpu.memory_space<vmem>>) offsets(%dma_start3A_20 : memref<64xi32, #tpu.memory_space<vmem>>) semaphore(%arg11 : memref<!tpu.dma_semaphore, #tpu.memory_space<semaphore_mem>>)
    %scan3A = arith.constant 0 : i32
    %scan3A_24 = arith.constant 0 : i32
    %scan3A_25 = arith.constant 160 : i32
    %scan3A_26 = arith.addi %scan3A_24, %scan3A_25 : i32
    %scan3A_27 = arith.constant 1 : i32
    scf.for %scan3A_55 = %scan3A_24 to %scan3A_26 step %scan3A_27  : i32 {
      %jit3A = arith.constant 32 : i32
      %div3A = arith.divsi %scan3A_55, %jit3A : i32
      %sign3A = arith.constant 0 : i32
      %sign3A_56 = arith.cmpi sgt, %scan3A_55, %sign3A : i32
      %sign3A_57 = arith.extui %sign3A_56 : i1 to i32
      %sign3A_58 = arith.constant 0 : i32
      %sign3A_59 = arith.cmpi slt, %scan3A_55, %sign3A_58 : i32
      %sign3A_60 = arith.extui %sign3A_59 : i1 to i32
      %sign3A_61 = arith.subi %sign3A_57, %sign3A_60 : i32
      %sign3A_62 = arith.constant 0 : i32
      %sign3A_63 = arith.cmpi sgt, %jit3A, %sign3A_62 : i32
      %sign3A_64 = arith.extui %sign3A_63 : i1 to i32
      %sign3A_65 = arith.constant 0 : i32
      %sign3A_66 = arith.cmpi slt, %jit3A, %sign3A_65 : i32
      %sign3A_67 = arith.extui %sign3A_66 : i1 to i32
      %sign3A_68 = arith.subi %sign3A_64, %sign3A_67 : i32
      %ne3A = arith.cmpi ne, %sign3A_61, %sign3A_68 : i32
      %rem3A = arith.remsi %scan3A_55, %jit3A : i32
      %ne3A_69 = arith.constant 0 : i32
      %ne3A_70 = arith.cmpi ne, %rem3A, %ne3A_69 : i32
      %and3A = arith.andi %ne3A, %ne3A_70 : i1
      %sub3A = arith.constant 1 : i32
      %sub3A_71 = arith.subi %div3A, %sub3A : i32
      %select_n3A = arith.select %and3A, %sub3A_71, %div3A : i32
      %mul3A_72 = arith.constant 32 : i32
      %mul3A_73 = arith.muli %select_n3A, %mul3A_72 : i32
      %sub3A_74 = arith.subi %scan3A_55, %mul3A_73 : i32
      %jit3A_75 = arith.constant 2 : i32
      %eq3A = arith.constant 0 : i32
      %eq3A_76 = arith.cmpi eq, %jit3A_75, %eq3A : i32
      %jit3A_77 = arith.constant 1 : i32
      %select_n3A_78 = arith.select %eq3A_76, %jit3A_77, %jit3A_75 : i32
      %rem3A_79 = arith.remsi %select_n3A, %select_n3A_78 : i32
      %ne3A_80 = arith.constant 0 : i32
      %ne3A_81 = arith.cmpi ne, %rem3A_79, %ne3A_80 : i32
      %lt3A = arith.constant 0 : i32
      %lt3A_82 = arith.cmpi slt, %rem3A_79, %lt3A : i32
      %lt3A_83 = arith.constant 0 : i32
      %lt3A_84 = arith.cmpi slt, %select_n3A_78, %lt3A_83 : i32
      %ne3A_85 = arith.xori %lt3A_82, %lt3A_84 : i1
      %and3A_86 = arith.andi %ne3A_85, %ne3A_81 : i1
      %add3A = arith.addi %rem3A_79, %select_n3A_78 : i32
      %select_n3A_87 = arith.select %and3A_86, %add3A, %rem3A_79 : i32
      %add3A_88 = arith.constant 2 : i32
      %add3A_89 = arith.addi %scan3A_55, %add3A_88 : i32
      %dma_wait3A_90 = arith.constant 0 : i32
      %dma_wait3A_91 = arith.constant 0 : i32
      %dma_wait3A_92 = arith.constant 0 : i32
      %dma_wait3A_93 = arith.constant 0 : i32
      %dma_wait3A_94 = tpu.memref_slice %arg9[%dma_wait3A_91, %dma_wait3A_92, %dma_wait3A_93] : memref<4x64x128xf32, #tpu.memory_space<vmem>> -> memref<1x64x128xf32, #tpu.memory_space<vmem>>
      %dma_wait3A_95 = tpu.memref_squeeze %dma_wait3A_94 : memref<1x64x128xf32, #tpu.memory_space<vmem>> -> memref<64x128xf32, #tpu.memory_space<vmem>>
      %dma_wait3A_96 = arith.constant 0 : i32
      %dma_wait3A_97 = tpu.memref_slice %arg7[%dma_wait3A_90, %dma_wait3A_96] : memref<64x64xi32, #tpu.memory_space<vmem>> -> memref<1x64xi32, #tpu.memory_space<vmem>>
      %dma_wait3A_98 = tpu.memref_squeeze %dma_wait3A_97 : memref<1x64xi32, #tpu.memory_space<vmem>> -> memref<64xi32, #tpu.memory_space<vmem>>
      %dma_wait3A_99 = arith.constant 0 : i32
      %dma_wait3A_100 = arith.constant 0 : i32
      %dma_wait3A_101 = tpu.memref_slice %arg2[%dma_wait3A_99, %dma_wait3A_100] : memref<20000x128xf32, #tpu.memory_space<hbm>> -> memref<20000x128xf32, #tpu.memory_space<hbm>>
      tpu.wait_indirect_dma semaphore(%arg11 : memref<!tpu.dma_semaphore, #tpu.memory_space<semaphore_mem>>) src(%dma_wait3A_101 : memref<20000x128xf32, #tpu.memory_space<hbm>>) dst(%dma_wait3A_95 : memref<64x128xf32, #tpu.memory_space<vmem>>)
      %ge3A = arith.constant 2 : i32
      %ge3A_102 = arith.cmpi sge, %scan3A_55, %ge3A : i32
      %convert_element_type3A = arith.extui %ge3A_102 : i1 to i32
      %cond3A = arith.constant 0 : i32
      %cond3A_103 = arith.cmpi ne, %convert_element_type3A, %cond3A : i32
      scf.if %cond3A_103 {
        %dma_wait3A_156 = arith.constant 0 : i32
        %dma_wait3A_157 = arith.constant 0 : i32
        %dma_wait3A_158 = arith.constant 0 : i32
        %dma_wait3A_159 = arith.constant 0 : i32
        %dma_wait3A_160 = tpu.memref_slice %arg9[%dma_wait3A_156, %dma_wait3A_158, %dma_wait3A_159] : memref<4x64x128xf32, #tpu.memory_space<vmem>> -> memref<1x64x128xf32, #tpu.memory_space<vmem>>
        %dma_wait3A_161 = tpu.memref_squeeze %dma_wait3A_160 : memref<1x64x128xf32, #tpu.memory_space<vmem>> -> memref<64x128xf32, #tpu.memory_space<vmem>>
        %dma_wait3A_162 = arith.constant 0 : i32
        %dma_wait3A_163 = tpu.memref_slice %arg8[%dma_wait3A_157, %dma_wait3A_162] : memref<64x64xi32, #tpu.memory_space<vmem>> -> memref<1x64xi32, #tpu.memory_space<vmem>>
        %dma_wait3A_164 = tpu.memref_squeeze %dma_wait3A_163 : memref<1x64xi32, #tpu.memory_space<vmem>> -> memref<64xi32, #tpu.memory_space<vmem>>
        %dma_wait3A_165 = arith.constant 0 : i32
        %dma_wait3A_166 = arith.constant 0 : i32
        %dma_wait3A_167 = tpu.memref_slice %arg10[%dma_wait3A_165, %dma_wait3A_166] : memref<10240x128xf32, #tpu.memory_space<vmem_shared>> -> memref<10240x128xf32, #tpu.memory_space<vmem_shared>>
        tpu.wait_indirect_dma semaphore(%arg12 : memref<!tpu.dma_semaphore, #tpu.memory_space<semaphore_mem>>) src(%dma_wait3A_161 : memref<64x128xf32, #tpu.memory_space<vmem>>) dst(%dma_wait3A_167 : memref<10240x128xf32, #tpu.memory_space<vmem_shared>>)
      } else {
      }
      %eq3A_104 = arith.constant 1 : i32
      %eq3A_105 = arith.cmpi eq, %sub3A_74, %eq3A_104 : i32
      %add3A_106 = arith.constant 1 : i32
      %add3A_107 = arith.addi %select_n3A, %add3A_106 : i32
      %lt3A_108 = arith.constant 5 : i32
      %lt3A_109 = arith.cmpi slt, %add3A_107, %lt3A_108 : i32
      %and3A_110 = arith.andi %eq3A_105, %lt3A_109 : i1
      %convert_element_type3A_111 = arith.extui %and3A_110 : i1 to i32
      %cond3A_112 = arith.constant 0 : i32
      %cond3A_113 = arith.cmpi ne, %convert_element_type3A_111, %cond3A_112 : i32
      scf.if %cond3A_113 {
        %sub3A_156 = arith.constant 1 : i32
        %sub3A_157 = arith.subi %sub3A_156, %select_n3A_87 : i32
        %mul3A_158 = arith.constant 32 : i32
        %mul3A_159 = arith.muli %sub3A_157, %mul3A_158 : i32
        %add3A_160 = arith.constant 1 : i32
        %add3A_161 = arith.addi %select_n3A, %add3A_160 : i32
        %mul3A_162 = arith.constant 32 : i32
        %mul3A_163 = arith.muli %add3A_161, %mul3A_162 : i32
        %dma_start3A_164 = arith.constant 0 : i32
        %dma_start3A_165 = tpu.memref_slice %arg7[%mul3A_159, %dma_start3A_164] : memref<64x64xi32, #tpu.memory_space<vmem>> -> memref<32x64xi32, #tpu.memory_space<vmem>>
        %dma_start3A_166 = arith.constant 0 : i32
        %dma_start3A_167 = arith.constant 0 : i32
        %dma_start3A_168 = arith.constant 0 : i32
        %dma_start3A_169 = tpu.memref_slice %arg3[%arg0, %dma_start3A_166, %dma_start3A_167, %dma_start3A_168] : memref<2x16x160x64xi32, #tpu.memory_space<hbm>> -> memref<1x16x160x64xi32, #tpu.memory_space<hbm>>
        %dma_start3A_170 = tpu.memref_squeeze %dma_start3A_169 : memref<1x16x160x64xi32, #tpu.memory_space<hbm>> -> memref<16x160x64xi32, #tpu.memory_space<hbm>>
        %dma_start3A_171 = arith.constant 0 : i32
        %dma_start3A_172 = arith.constant 0 : i32
        %dma_start3A_173 = tpu.memref_slice %dma_start3A_170[%arg1, %dma_start3A_171, %dma_start3A_172] : memref<16x160x64xi32, #tpu.memory_space<hbm>> -> memref<1x160x64xi32, #tpu.memory_space<hbm>>
        %dma_start3A_174 = tpu.memref_squeeze %dma_start3A_173 : memref<1x160x64xi32, #tpu.memory_space<hbm>> -> memref<160x64xi32, #tpu.memory_space<hbm>>
        %dma_start3A_175 = arith.constant 0 : i32
        %dma_start3A_176 = tpu.memref_slice %dma_start3A_174[%mul3A_163, %dma_start3A_175] : memref<160x64xi32, #tpu.memory_space<hbm>> -> memref<32x64xi32, #tpu.memory_space<hbm>>
        %dma_start3A_177 = arith.constant 0 : i32
        %dma_start3A_178 = tpu.memref_slice %arg7[%mul3A_159, %dma_start3A_177] : memref<64x64xi32, #tpu.memory_space<vmem>> -> memref<32x64xi32, #tpu.memory_space<vmem>>
        %dma_start3A_179 = arith.constant 0 : i32
        %dma_start3A_180 = arith.constant 0 : i32
        %dma_start3A_181 = arith.constant 0 : i32
        %dma_start3A_182 = tpu.memref_slice %arg3[%arg0, %dma_start3A_179, %dma_start3A_180, %dma_start3A_181] : memref<2x16x160x64xi32, #tpu.memory_space<hbm>> -> memref<1x16x160x64xi32, #tpu.memory_space<hbm>>
        %dma_start3A_183 = tpu.memref_squeeze %dma_start3A_182 : memref<1x16x160x64xi32, #tpu.memory_space<hbm>> -> memref<16x160x64xi32, #tpu.memory_space<hbm>>
        %dma_start3A_184 = arith.constant 0 : i32
        %dma_start3A_185 = arith.constant 0 : i32
        %dma_start3A_186 = tpu.memref_slice %dma_start3A_183[%arg1, %dma_start3A_184, %dma_start3A_185] : memref<16x160x64xi32, #tpu.memory_space<hbm>> -> memref<1x160x64xi32, #tpu.memory_space<hbm>>
        %dma_start3A_187 = tpu.memref_squeeze %dma_start3A_186 : memref<1x160x64xi32, #tpu.memory_space<hbm>> -> memref<160x64xi32, #tpu.memory_space<hbm>>
        %dma_start3A_188 = arith.constant 0 : i32
        %dma_start3A_189 = tpu.memref_slice %dma_start3A_187[%mul3A_163, %dma_start3A_188] : memref<160x64xi32, #tpu.memory_space<hbm>> -> memref<32x64xi32, #tpu.memory_space<hbm>>
        tpu.enqueue_dma source(%dma_start3A_189 : memref<32x64xi32, #tpu.memory_space<hbm>>) target(%dma_start3A_178 : memref<32x64xi32, #tpu.memory_space<vmem>>) target_semaphore(%arg13 : memref<!tpu.dma_semaphore, #tpu.memory_space<semaphore_mem>>)
        %add3A_190 = arith.constant 1 : i32
        %add3A_191 = arith.addi %select_n3A, %add3A_190 : i32
        %mul3A_192 = arith.constant 32 : i32
        %mul3A_193 = arith.muli %add3A_191, %mul3A_192 : i32
        %dma_start3A_194 = arith.constant 0 : i32
        %dma_start3A_195 = tpu.memref_slice %arg8[%mul3A_159, %dma_start3A_194] : memref<64x64xi32, #tpu.memory_space<vmem>> -> memref<32x64xi32, #tpu.memory_space<vmem>>
        %dma_start3A_196 = arith.constant 0 : i32
        %dma_start3A_197 = arith.constant 0 : i32
        %dma_start3A_198 = tpu.memref_slice %arg4[%arg1, %dma_start3A_196, %dma_start3A_197] : memref<16x160x64xi32, #tpu.memory_space<hbm>> -> memref<1x160x64xi32, #tpu.memory_space<hbm>>
        %dma_start3A_199 = tpu.memref_squeeze %dma_start3A_198 : memref<1x160x64xi32, #tpu.memory_space<hbm>> -> memref<160x64xi32, #tpu.memory_space<hbm>>
        %dma_start3A_200 = arith.constant 0 : i32
        %dma_start3A_201 = tpu.memref_slice %dma_start3A_199[%mul3A_193, %dma_start3A_200] : memref<160x64xi32, #tpu.memory_space<hbm>> -> memref<32x64xi32, #tpu.memory_space<hbm>>
        %dma_start3A_202 = arith.constant 0 : i32
        %dma_start3A_203 = tpu.memref_slice %arg8[%mul3A_159, %dma_start3A_202] : memref<64x64xi32, #tpu.memory_space<vmem>> -> memref<32x64xi32, #tpu.memory_space<vmem>>
        %dma_start3A_204 = arith.constant 0 : i32
        %dma_start3A_205 = arith.constant 0 : i32
        %dma_start3A_206 = tpu.memref_slice %arg4[%arg1, %dma_start3A_204, %dma_start3A_205] : memref<16x160x64xi32, #tpu.memory_space<hbm>> -> memref<1x160x64xi32, #tpu.memory_space<hbm>>
        %dma_start3A_207 = tpu.memref_squeeze %dma_start3A_206 : memref<1x160x64xi32, #tpu.memory_space<hbm>> -> memref<160x64xi32, #tpu.memory_space<hbm>>
        %dma_start3A_208 = arith.constant 0 : i32
        %dma_start3A_209 = tpu.memref_slice %dma_start3A_207[%mul3A_193, %dma_start3A_208] : memref<160x64xi32, #tpu.memory_space<hbm>> -> memref<32x64xi32, #tpu.memory_space<hbm>>
        tpu.enqueue_dma source(%dma_start3A_209 : memref<32x64xi32, #tpu.memory_space<hbm>>) target(%dma_start3A_203 : memref<32x64xi32, #tpu.memory_space<vmem>>) target_semaphore(%arg13 : memref<!tpu.dma_semaphore, #tpu.memory_space<semaphore_mem>>)
      } else {
      }
      %lt3A_114 = arith.constant 160 : i32
      %lt3A_115 = arith.cmpi slt, %add3A_89, %lt3A_114 : i32
      %eq3A_116 = arith.constant 30 : i32
      %eq3A_117 = arith.cmpi eq, %sub3A_74, %eq3A_116 : i32
      %and3A_118 = arith.andi %lt3A_115, %eq3A_117 : i1
      %convert_element_type3A_119 = arith.extui %and3A_118 : i1 to i32
      %cond3A_120 = arith.constant 0 : i32
      %cond3A_121 = arith.cmpi ne, %convert_element_type3A_119, %cond3A_120 : i32
      scf.if %cond3A_121 {
        %dma_wait3A_156 = arith.constant 0 : i32
        %dma_wait3A_157 = arith.constant 0 : i32
        %dma_wait3A_158 = tpu.memref_slice %arg7[%dma_wait3A_156, %dma_wait3A_157] : memref<64x64xi32, #tpu.memory_space<vmem>> -> memref<32x64xi32, #tpu.memory_space<vmem>>
        %dma_wait3A_159 = arith.constant 0 : i32
        %dma_wait3A_160 = arith.constant 0 : i32
        %dma_wait3A_161 = arith.constant 0 : i32
        %dma_wait3A_162 = tpu.memref_slice %arg3[%arg0, %dma_wait3A_159, %dma_wait3A_160, %dma_wait3A_161] : memref<2x16x160x64xi32, #tpu.memory_space<hbm>> -> memref<1x16x160x64xi32, #tpu.memory_space<hbm>>
        %dma_wait3A_163 = tpu.memref_squeeze %dma_wait3A_162 : memref<1x16x160x64xi32, #tpu.memory_space<hbm>> -> memref<16x160x64xi32, #tpu.memory_space<hbm>>
        %dma_wait3A_164 = arith.constant 0 : i32
        %dma_wait3A_165 = arith.constant 0 : i32
        %dma_wait3A_166 = tpu.memref_slice %dma_wait3A_163[%arg1, %dma_wait3A_164, %dma_wait3A_165] : memref<16x160x64xi32, #tpu.memory_space<hbm>> -> memref<1x160x64xi32, #tpu.memory_space<hbm>>
        %dma_wait3A_167 = tpu.memref_squeeze %dma_wait3A_166 : memref<1x160x64xi32, #tpu.memory_space<hbm>> -> memref<160x64xi32, #tpu.memory_space<hbm>>
        %dma_wait3A_168 = arith.constant 0 : i32
        %dma_wait3A_169 = arith.constant 0 : i32
        %dma_wait3A_170 = tpu.memref_slice %dma_wait3A_167[%dma_wait3A_168, %dma_wait3A_169] : memref<160x64xi32, #tpu.memory_space<hbm>> -> memref<32x64xi32, #tpu.memory_space<hbm>>
        %dma_wait3A_171 = arith.constant 0 : i32
        %dma_wait3A_172 = arith.constant 0 : i32
        %dma_wait3A_173 = tpu.memref_slice %arg7[%dma_wait3A_171, %dma_wait3A_172] : memref<64x64xi32, #tpu.memory_space<vmem>> -> memref<32x64xi32, #tpu.memory_space<vmem>>
        %dma_wait3A_174 = arith.constant 0 : i32
        %dma_wait3A_175 = arith.constant 0 : i32
        %dma_wait3A_176 = arith.constant 0 : i32
        %dma_wait3A_177 = tpu.memref_slice %arg3[%arg0, %dma_wait3A_174, %dma_wait3A_175, %dma_wait3A_176] : memref<2x16x160x64xi32, #tpu.memory_space<hbm>> -> memref<1x16x160x64xi32, #tpu.memory_space<hbm>>
        %dma_wait3A_178 = tpu.memref_squeeze %dma_wait3A_177 : memref<1x16x160x64xi32, #tpu.memory_space<hbm>> -> memref<16x160x64xi32, #tpu.memory_space<hbm>>
        %dma_wait3A_179 = arith.constant 0 : i32
        %dma_wait3A_180 = arith.constant 0 : i32
        %dma_wait3A_181 = tpu.memref_slice %dma_wait3A_178[%arg1, %dma_wait3A_179, %dma_wait3A_180] : memref<16x160x64xi32, #tpu.memory_space<hbm>> -> memref<1x160x64xi32, #tpu.memory_space<hbm>>
        %dma_wait3A_182 = tpu.memref_squeeze %dma_wait3A_181 : memref<1x160x64xi32, #tpu.memory_space<hbm>> -> memref<160x64xi32, #tpu.memory_space<hbm>>
        %dma_wait3A_183 = arith.constant 0 : i32
        %dma_wait3A_184 = arith.constant 0 : i32
        %dma_wait3A_185 = tpu.memref_slice %dma_wait3A_182[%dma_wait3A_183, %dma_wait3A_184] : memref<160x64xi32, #tpu.memory_space<hbm>> -> memref<32x64xi32, #tpu.memory_space<hbm>>
        tpu.wait_dma2 semaphore(%arg13 : memref<!tpu.dma_semaphore, #tpu.memory_space<semaphore_mem>>) src(%dma_wait3A_185 : memref<32x64xi32, #tpu.memory_space<hbm>>) dst(%dma_wait3A_173 : memref<32x64xi32, #tpu.memory_space<vmem>>)
        %dma_wait3A_186 = arith.constant 0 : i32
        %dma_wait3A_187 = arith.constant 0 : i32
        %dma_wait3A_188 = tpu.memref_slice %arg8[%dma_wait3A_186, %dma_wait3A_187] : memref<64x64xi32, #tpu.memory_space<vmem>> -> memref<32x64xi32, #tpu.memory_space<vmem>>
        %dma_wait3A_189 = arith.constant 0 : i32
        %dma_wait3A_190 = arith.constant 0 : i32
        %dma_wait3A_191 = tpu.memref_slice %arg4[%arg1, %dma_wait3A_189, %dma_wait3A_190] : memref<16x160x64xi32, #tpu.memory_space<hbm>> -> memref<1x160x64xi32, #tpu.memory_space<hbm>>
        %dma_wait3A_192 = tpu.memref_squeeze %dma_wait3A_191 : memref<1x160x64xi32, #tpu.memory_space<hbm>> -> memref<160x64xi32, #tpu.memory_space<hbm>>
        %dma_wait3A_193 = arith.constant 0 : i32
        %dma_wait3A_194 = arith.constant 0 : i32
        %dma_wait3A_195 = tpu.memref_slice %dma_wait3A_192[%dma_wait3A_193, %dma_wait3A_194] : memref<160x64xi32, #tpu.memory_space<hbm>> -> memref<32x64xi32, #tpu.memory_space<hbm>>
        %dma_wait3A_196 = arith.constant 0 : i32
        %dma_wait3A_197 = arith.constant 0 : i32
        %dma_wait3A_198 = tpu.memref_slice %arg8[%dma_wait3A_196, %dma_wait3A_197] : memref<64x64xi32, #tpu.memory_space<vmem>> -> memref<32x64xi32, #tpu.memory_space<vmem>>
        %dma_wait3A_199 = arith.constant 0 : i32
        %dma_wait3A_200 = arith.constant 0 : i32
        %dma_wait3A_201 = tpu.memref_slice %arg4[%arg1, %dma_wait3A_199, %dma_wait3A_200] : memref<16x160x64xi32, #tpu.memory_space<hbm>> -> memref<1x160x64xi32, #tpu.memory_space<hbm>>
        %dma_wait3A_202 = tpu.memref_squeeze %dma_wait3A_201 : memref<1x160x64xi32, #tpu.memory_space<hbm>> -> memref<160x64xi32, #tpu.memory_space<hbm>>
        %dma_wait3A_203 = arith.constant 0 : i32
        %dma_wait3A_204 = arith.constant 0 : i32
        %dma_wait3A_205 = tpu.memref_slice %dma_wait3A_202[%dma_wait3A_203, %dma_wait3A_204] : memref<160x64xi32, #tpu.memory_space<hbm>> -> memref<32x64xi32, #tpu.memory_space<hbm>>
        tpu.wait_dma2 semaphore(%arg13 : memref<!tpu.dma_semaphore, #tpu.memory_space<semaphore_mem>>) src(%dma_wait3A_205 : memref<32x64xi32, #tpu.memory_space<hbm>>) dst(%dma_wait3A_198 : memref<32x64xi32, #tpu.memory_space<vmem>>)
      } else {
      }
      %lt3A_122 = arith.constant 160 : i32
      %lt3A_123 = arith.cmpi slt, %add3A_89, %lt3A_122 : i32
      %convert_element_type3A_124 = arith.extui %lt3A_123 : i1 to i32
      %cond3A_125 = arith.constant 0 : i32
      %cond3A_126 = arith.cmpi ne, %convert_element_type3A_124, %cond3A_125 : i32
      scf.if %cond3A_126 {
        %jit3A_156 = arith.constant 32 : i32
        %div3A_157 = arith.divsi %add3A_89, %jit3A_156 : i32
        %sign3A_158 = arith.constant 0 : i32
        %sign3A_159 = arith.cmpi sgt, %add3A_89, %sign3A_158 : i32
        %sign3A_160 = arith.extui %sign3A_159 : i1 to i32
        %sign3A_161 = arith.constant 0 : i32
        %sign3A_162 = arith.cmpi slt, %add3A_89, %sign3A_161 : i32
        %sign3A_163 = arith.extui %sign3A_162 : i1 to i32
        %sign3A_164 = arith.subi %sign3A_160, %sign3A_163 : i32
        %sign3A_165 = arith.constant 0 : i32
        %sign3A_166 = arith.cmpi sgt, %jit3A_156, %sign3A_165 : i32
        %sign3A_167 = arith.extui %sign3A_166 : i1 to i32
        %sign3A_168 = arith.constant 0 : i32
        %sign3A_169 = arith.cmpi slt, %jit3A_156, %sign3A_168 : i32
        %sign3A_170 = arith.extui %sign3A_169 : i1 to i32
        %sign3A_171 = arith.subi %sign3A_167, %sign3A_170 : i32
        %ne3A_172 = arith.cmpi ne, %sign3A_164, %sign3A_171 : i32
        %rem3A_173 = arith.remsi %add3A_89, %jit3A_156 : i32
        %ne3A_174 = arith.constant 0 : i32
        %ne3A_175 = arith.cmpi ne, %rem3A_173, %ne3A_174 : i32
        %and3A_176 = arith.andi %ne3A_172, %ne3A_175 : i1
        %sub3A_177 = arith.constant 1 : i32
        %sub3A_178 = arith.subi %div3A_157, %sub3A_177 : i32
        %select_n3A_179 = arith.select %and3A_176, %sub3A_178, %div3A_157 : i32
        %jit3A_180 = arith.constant 2 : i32
        %eq3A_181 = arith.constant 0 : i32
        %eq3A_182 = arith.cmpi eq, %jit3A_180, %eq3A_181 : i32
        %jit3A_183 = arith.constant 1 : i32
        %select_n3A_184 = arith.select %eq3A_182, %jit3A_183, %jit3A_180 : i32
        %rem3A_185 = arith.remsi %select_n3A_179, %select_n3A_184 : i32
        %ne3A_186 = arith.constant 0 : i32
        %ne3A_187 = arith.cmpi ne, %rem3A_185, %ne3A_186 : i32
        %lt3A_188 = arith.constant 0 : i32
        %lt3A_189 = arith.cmpi slt, %rem3A_185, %lt3A_188 : i32
        %lt3A_190 = arith.constant 0 : i32
        %lt3A_191 = arith.cmpi slt, %select_n3A_184, %lt3A_190 : i32
        %ne3A_192 = arith.xori %lt3A_189, %lt3A_191 : i1
        %and3A_193 = arith.andi %ne3A_192, %ne3A_187 : i1
        %add3A_194 = arith.addi %rem3A_185, %select_n3A_184 : i32
        %select_n3A_195 = arith.select %and3A_193, %add3A_194, %rem3A_185 : i32
        %mul3A_196 = arith.constant 32 : i32
        %mul3A_197 = arith.muli %select_n3A_195, %mul3A_196 : i32
        %jit3A_198 = arith.constant 32 : i32
        %div3A_199 = arith.divsi %add3A_89, %jit3A_198 : i32
        %sign3A_200 = arith.constant 0 : i32
        %sign3A_201 = arith.cmpi sgt, %add3A_89, %sign3A_200 : i32
        %sign3A_202 = arith.extui %sign3A_201 : i1 to i32
        %sign3A_203 = arith.constant 0 : i32
        %sign3A_204 = arith.cmpi slt, %add3A_89, %sign3A_203 : i32
        %sign3A_205 = arith.extui %sign3A_204 : i1 to i32
        %sign3A_206 = arith.subi %sign3A_202, %sign3A_205 : i32
        %sign3A_207 = arith.constant 0 : i32
        %sign3A_208 = arith.cmpi sgt, %jit3A_198, %sign3A_207 : i32
        %sign3A_209 = arith.extui %sign3A_208 : i1 to i32
        %sign3A_210 = arith.constant 0 : i32
        %sign3A_211 = arith.cmpi slt, %jit3A_198, %sign3A_210 : i32
        %sign3A_212 = arith.extui %sign3A_211 : i1 to i32
        %sign3A_213 = arith.subi %sign3A_209, %sign3A_212 : i32
        %ne3A_214 = arith.cmpi ne, %sign3A_206, %sign3A_213 : i32
        %rem3A_215 = arith.remsi %add3A_89, %jit3A_198 : i32
        %ne3A_216 = arith.constant 0 : i32
        %ne3A_217 = arith.cmpi ne, %rem3A_215, %ne3A_216 : i32
        %and3A_218 = arith.andi %ne3A_214, %ne3A_217 : i1
        %sub3A_219 = arith.constant 1 : i32
        %sub3A_220 = arith.subi %div3A_199, %sub3A_219 : i32
        %select_n3A_221 = arith.select %and3A_218, %sub3A_220, %div3A_199 : i32
        %mul3A_222 = arith.constant 32 : i32
        %mul3A_223 = arith.muli %select_n3A_221, %mul3A_222 : i32
        %sub3A_224 = arith.subi %add3A_89, %mul3A_223 : i32
        %add3A_225 = arith.addi %mul3A_197, %sub3A_224 : i32
        %jit3A_226 = arith.constant 4 : i32
        %eq3A_227 = arith.constant 0 : i32
        %eq3A_228 = arith.cmpi eq, %jit3A_226, %eq3A_227 : i32
        %jit3A_229 = arith.constant 1 : i32
        %select_n3A_230 = arith.select %eq3A_228, %jit3A_229, %jit3A_226 : i32
        %rem3A_231 = arith.remsi %add3A_89, %select_n3A_230 : i32
        %ne3A_232 = arith.constant 0 : i32
        %ne3A_233 = arith.cmpi ne, %rem3A_231, %ne3A_232 : i32
        %lt3A_234 = arith.constant 0 : i32
        %lt3A_235 = arith.cmpi slt, %rem3A_231, %lt3A_234 : i32
        %lt3A_236 = arith.constant 0 : i32
        %lt3A_237 = arith.cmpi slt, %select_n3A_230, %lt3A_236 : i32
        %ne3A_238 = arith.xori %lt3A_235, %lt3A_237 : i1
        %and3A_239 = arith.andi %ne3A_238, %ne3A_233 : i1
        %add3A_240 = arith.addi %rem3A_231, %select_n3A_230 : i32
        %select_n3A_241 = arith.select %and3A_239, %add3A_240, %rem3A_231 : i32
        %dma_start3A_242 = arith.constant 0 : i32
        %dma_start3A_243 = arith.constant 0 : i32
        %dma_start3A_244 = tpu.memref_slice %arg9[%select_n3A_241, %dma_start3A_242, %dma_start3A_243] : memref<4x64x128xf32, #tpu.memory_space<vmem>> -> memref<1x64x128xf32, #tpu.memory_space<vmem>>
        %dma_start3A_245 = tpu.memref_squeeze %dma_start3A_244 : memref<1x64x128xf32, #tpu.memory_space<vmem>> -> memref<64x128xf32, #tpu.memory_space<vmem>>
        %dma_start3A_246 = arith.constant 0 : i32
        %dma_start3A_247 = tpu.memref_slice %arg7[%add3A_225, %dma_start3A_246] : memref<64x64xi32, #tpu.memory_space<vmem>> -> memref<1x64xi32, #tpu.memory_space<vmem>>
        %dma_start3A_248 = tpu.memref_squeeze %dma_start3A_247 : memref<1x64xi32, #tpu.memory_space<vmem>> -> memref<64xi32, #tpu.memory_space<vmem>>
        %dma_start3A_249 = arith.constant 0 : i32
        %dma_start3A_250 = arith.constant 0 : i32
        %dma_start3A_251 = tpu.memref_slice %arg2[%dma_start3A_249, %dma_start3A_250] : memref<20000x128xf32, #tpu.memory_space<hbm>> -> memref<20000x128xf32, #tpu.memory_space<hbm>>
        tpu.enqueue_indirect_dma source(%dma_start3A_251 : memref<20000x128xf32, #tpu.memory_space<hbm>>) target(%dma_start3A_245 : memref<64x128xf32, #tpu.memory_space<vmem>>) offsets(%dma_start3A_248 : memref<64xi32, #tpu.memory_space<vmem>>) semaphore(%arg11 : memref<!tpu.dma_semaphore, #tpu.memory_space<semaphore_mem>>)
      } else {
      }
      %jit3A_127 = arith.constant 4 : i32
      %eq3A_128 = arith.constant 0 : i32
      %eq3A_129 = arith.cmpi eq, %jit3A_127, %eq3A_128 : i32
      %jit3A_130 = arith.constant 1 : i32
      %select_n3A_131 = arith.select %eq3A_129, %jit3A_130, %jit3A_127 : i32
      %rem3A_132 = arith.remsi %scan3A_55, %select_n3A_131 : i32
      %ne3A_133 = arith.constant 0 : i32
      %ne3A_134 = arith.cmpi ne, %rem3A_132, %ne3A_133 : i32
      %lt3A_135 = arith.constant 0 : i32
      %lt3A_136 = arith.cmpi slt, %rem3A_132, %lt3A_135 : i32
      %lt3A_137 = arith.constant 0 : i32
      %lt3A_138 = arith.cmpi slt, %select_n3A_131, %lt3A_137 : i32
      %ne3A_139 = arith.xori %lt3A_136, %lt3A_138 : i1
      %and3A_140 = arith.andi %ne3A_139, %ne3A_134 : i1
      %add3A_141 = arith.addi %rem3A_132, %select_n3A_131 : i32
      %select_n3A_142 = arith.select %and3A_140, %add3A_141, %rem3A_132 : i32
      %mul3A_143 = arith.constant 32 : i32
      %mul3A_144 = arith.muli %select_n3A_87, %mul3A_143 : i32
      %add3A_145 = arith.addi %mul3A_144, %sub3A_74 : i32
      %dma_start3A_146 = arith.constant 0 : i32
      %dma_start3A_147 = arith.constant 0 : i32
      %dma_start3A_148 = tpu.memref_slice %arg9[%select_n3A_142, %dma_start3A_146, %dma_start3A_147] : memref<4x64x128xf32, #tpu.memory_space<vmem>> -> memref<1x64x128xf32, #tpu.memory_space<vmem>>
      %dma_start3A_149 = tpu.memref_squeeze %dma_start3A_148 : memref<1x64x128xf32, #tpu.memory_space<vmem>> -> memref<64x128xf32, #tpu.memory_space<vmem>>
      %dma_start3A_150 = arith.constant 0 : i32
      %dma_start3A_151 = tpu.memref_slice %arg8[%add3A_145, %dma_start3A_150] : memref<64x64xi32, #tpu.memory_space<vmem>> -> memref<1x64xi32, #tpu.memory_space<vmem>>
      %dma_start3A_152 = tpu.memref_squeeze %dma_start3A_151 : memref<1x64xi32, #tpu.memory_space<vmem>> -> memref<64xi32, #tpu.memory_space<vmem>>
      %dma_start3A_153 = arith.constant 0 : i32
      %dma_start3A_154 = arith.constant 0 : i32
      %dma_start3A_155 = tpu.memref_slice %arg10[%dma_start3A_153, %dma_start3A_154] : memref<10240x128xf32, #tpu.memory_space<vmem_shared>> -> memref<10240x128xf32, #tpu.memory_space<vmem_shared>>
      tpu.enqueue_indirect_dma source(%dma_start3A_149 : memref<64x128xf32, #tpu.memory_space<vmem>>) target(%dma_start3A_155 : memref<10240x128xf32, #tpu.memory_space<vmem_shared>>) offsets(%dma_start3A_152 : memref<64xi32, #tpu.memory_space<vmem>>) semaphore(%arg12 : memref<!tpu.dma_semaphore, #tpu.memory_space<semaphore_mem>>) {add = true}
    }
    %scan3A_28 = arith.constant 160 : i32
    %dma_wait3A = arith.constant 0 : i32
    %dma_wait3A_29 = arith.constant 0 : i32
    %dma_wait3A_30 = arith.constant 0 : i32
    %dma_wait3A_31 = arith.constant 0 : i32
    %dma_wait3A_32 = tpu.memref_slice %arg9[%dma_wait3A, %dma_wait3A_30, %dma_wait3A_31] : memref<4x64x128xf32, #tpu.memory_space<vmem>> -> memref<1x64x128xf32, #tpu.memory_space<vmem>>
    %dma_wait3A_33 = tpu.memref_squeeze %dma_wait3A_32 : memref<1x64x128xf32, #tpu.memory_space<vmem>> -> memref<64x128xf32, #tpu.memory_space<vmem>>
    %dma_wait3A_34 = arith.constant 0 : i32
    %dma_wait3A_35 = tpu.memref_slice %arg8[%dma_wait3A_29, %dma_wait3A_34] : memref<64x64xi32, #tpu.memory_space<vmem>> -> memref<1x64xi32, #tpu.memory_space<vmem>>
    %dma_wait3A_36 = tpu.memref_squeeze %dma_wait3A_35 : memref<1x64xi32, #tpu.memory_space<vmem>> -> memref<64xi32, #tpu.memory_space<vmem>>
    %dma_wait3A_37 = arith.constant 0 : i32
    %dma_wait3A_38 = arith.constant 0 : i32
    %dma_wait3A_39 = tpu.memref_slice %arg10[%dma_wait3A_37, %dma_wait3A_38] : memref<10240x128xf32, #tpu.memory_space<vmem_shared>> -> memref<10240x128xf32, #tpu.memory_space<vmem_shared>>
    tpu.wait_indirect_dma semaphore(%arg12 : memref<!tpu.dma_semaphore, #tpu.memory_space<semaphore_mem>>) src(%dma_wait3A_33 : memref<64x128xf32, #tpu.memory_space<vmem>>) dst(%dma_wait3A_39 : memref<10240x128xf32, #tpu.memory_space<vmem_shared>>)
    %dma_wait3A_40 = arith.constant 0 : i32
    %dma_wait3A_41 = arith.constant 0 : i32
    %dma_wait3A_42 = arith.constant 0 : i32
    %dma_wait3A_43 = arith.constant 0 : i32
    %dma_wait3A_44 = tpu.memref_slice %arg9[%dma_wait3A_40, %dma_wait3A_42, %dma_wait3A_43] : memref<4x64x128xf32, #tpu.memory_space<vmem>> -> memref<1x64x128xf32, #tpu.memory_space<vmem>>
    %dma_wait3A_45 = tpu.memref_squeeze %dma_wait3A_44 : memref<1x64x128xf32, #tpu.memory_space<vmem>> -> memref<64x128xf32, #tpu.memory_space<vmem>>
    %dma_wait3A_46 = arith.constant 0 : i32
    %dma_wait3A_47 = tpu.memref_slice %arg8[%dma_wait3A_41, %dma_wait3A_46] : memref<64x64xi32, #tpu.memory_space<vmem>> -> memref<1x64xi32, #tpu.memory_space<vmem>>
    %dma_wait3A_48 = tpu.memref_squeeze %dma_wait3A_47 : memref<1x64xi32, #tpu.memory_space<vmem>> -> memref<64xi32, #tpu.memory_space<vmem>>
    %dma_wait3A_49 = arith.constant 0 : i32
    %dma_wait3A_50 = arith.constant 0 : i32
    %dma_wait3A_51 = tpu.memref_slice %arg10[%dma_wait3A_49, %dma_wait3A_50] : memref<10240x128xf32, #tpu.memory_space<vmem_shared>> -> memref<10240x128xf32, #tpu.memory_space<vmem_shared>>
    tpu.wait_indirect_dma semaphore(%arg12 : memref<!tpu.dma_semaphore, #tpu.memory_space<semaphore_mem>>) src(%dma_wait3A_45 : memref<64x128xf32, #tpu.memory_space<vmem>>) dst(%dma_wait3A_51 : memref<10240x128xf32, #tpu.memory_space<vmem_shared>>)
    %barrier3A_52 = arith.constant 0 : index
    tpu.barrier barrier_id(%barrier3A_52)
    %mul3A_53 = arith.constant 640 : i32
    %mul3A_54 = arith.muli %arg1, %mul3A_53 : i32
    "tpu.region"() ({
      %run_scoped3A = tpu.sem_alloc : memref<!tpu.dma_semaphore, #tpu.memory_space<semaphore_mem>>
      %dma_start3A_55 = arith.constant 0 : i32
      %dma_start3A_56 = arith.constant 0 : i32
      %dma_start3A_57 = tpu.memref_slice %arg6[%arg0, %dma_start3A_55, %dma_start3A_56] : memref<2x10240x128xf32, #tpu.memory_space<hbm>> -> memref<1x10240x128xf32, #tpu.memory_space<hbm>>
      %dma_start3A_58 = tpu.memref_squeeze %dma_start3A_57 : memref<1x10240x128xf32, #tpu.memory_space<hbm>> -> memref<10240x128xf32, #tpu.memory_space<hbm>>
      %dma_start3A_59 = arith.constant 0 : i32
      %dma_start3A_60 = tpu.memref_slice %dma_start3A_58[%mul3A_54, %dma_start3A_59] : memref<10240x128xf32, #tpu.memory_space<hbm>> -> memref<640x128xf32, #tpu.memory_space<hbm>>
      %dma_start3A_61 = arith.constant 0 : i32
      %dma_start3A_62 = tpu.memref_slice %arg10[%mul3A_54, %dma_start3A_61] : memref<10240x128xf32, #tpu.memory_space<vmem_shared>> -> memref<640x128xf32, #tpu.memory_space<vmem_shared>>
      tpu.enqueue_dma source(%dma_start3A_62 : memref<640x128xf32, #tpu.memory_space<vmem_shared>>) target(%dma_start3A_60 : memref<640x128xf32, #tpu.memory_space<hbm>>) target_semaphore(%run_scoped3A : memref<!tpu.dma_semaphore, #tpu.memory_space<semaphore_mem>>)
      %dma_wait3A_63 = arith.constant 0 : i32
      %dma_wait3A_64 = arith.constant 0 : i32
      %dma_wait3A_65 = tpu.memref_slice %arg6[%arg0, %dma_wait3A_63, %dma_wait3A_64] : memref<2x10240x128xf32, #tpu.memory_space<hbm>> -> memref<1x10240x128xf32, #tpu.memory_space<hbm>>
      %dma_wait3A_66 = tpu.memref_squeeze %dma_wait3A_65 : memref<1x10240x128xf32, #tpu.memory_space<hbm>> -> memref<10240x128xf32, #tpu.memory_space<hbm>>
      %dma_wait3A_67 = arith.constant 0 : i32
      %dma_wait3A_68 = tpu.memref_slice %dma_wait3A_66[%mul3A_54, %dma_wait3A_67] : memref<10240x128xf32, #tpu.memory_space<hbm>> -> memref<640x128xf32, #tpu.memory_space<hbm>>
      %dma_wait3A_69 = arith.constant 0 : i32
      %dma_wait3A_70 = tpu.memref_slice %arg10[%mul3A_54, %dma_wait3A_69] : memref<10240x128xf32, #tpu.memory_space<vmem_shared>> -> memref<640x128xf32, #tpu.memory_space<vmem_shared>>
      tpu.wait_dma2 semaphore(%run_scoped3A : memref<!tpu.dma_semaphore, #tpu.memory_space<semaphore_mem>>) src(%dma_wait3A_70 : memref<640x128xf32, #tpu.memory_space<vmem_shared>>) dst(%dma_wait3A_68 : memref<640x128xf32, #tpu.memory_space<hbm>>)
      tpu.yield
    }) : () -> ()
    return
  }
}

module attributes {stable_mosaic.version = 14 : i64} {
  func.func @_pre_body(%arg0: i32, %arg1: memref<2000x512xf32, #tpu.memory_space<vmem>>, %arg2: memref<512x256xf32, #tpu.memory_space<vmem>>, %arg3: memref<512x256xf32, #tpu.memory_space<vmem>>, %arg4: memref<2x2000x128xf32, #tpu.memory_space<vmem>>, %arg5: memref<2000x256xf32, #tpu.memory_space<vmem>>) attributes {dimension_semantics = [#tpu.dimension_semantics<arbitrary>], iteration_bounds = array<i64: 5>, scalar_prefetch = 0 : i64, scratch_operands = 0 : i64, tpu.core_type = #tpu.core_type<tc>, window_params = [{transform_indices = @transform_0, window_bounds = array<i64: 2000, 512>}, {pipeline_mode = #tpu.pipeline_mode<synchronous>, transform_indices = @transform_1, window_bounds = array<i64: 512, 256>}, {pipeline_mode = #tpu.pipeline_mode<synchronous>, transform_indices = @transform_2, window_bounds = array<i64: 512, 256>}, {transform_indices = @transform_3, window_bounds = array<i64: 2, 2000, 128>}, {transform_indices = @transform_4, window_bounds = array<i64: 2000, 256>}]} {
    %get3A = arith.constant 0 : index
    %get3A_0 = arith.constant 0 : index
    %get3A_1 = vector.load %arg1[%get3A, %get3A_0] : memref<2000x512xf32, #tpu.memory_space<vmem>>, vector<2000x512xf32>
    %get3A_2 = arith.constant 0 : index
    %get3A_3 = arith.constant 0 : index
    %get3A_4 = vector.load %arg2[%get3A_2, %get3A_3] : memref<512x256xf32, #tpu.memory_space<vmem>>, vector<512x256xf32>
    %dot_general3A = arith.constant dense<0.000000e+00> : vector<2000x256xf32>
    %dot_general3A_5 = tpu.matmul %get3A_1, %get3A_4, %dot_general3A {dimension_numbers = #tpu.dot_dimension_numbers<[1], [0], [0], [1], [0, 0, 1, 1], [], []>, precision = #tpu.contract_precision<fp32>, transpose_lhs_hint = false} : vector<2000x512xf32>, vector<512x256xf32>, vector<2000x256xf32> -> vector<2000x256xf32>
    %slice3A = vector.extract_strided_slice %dot_general3A_5 {offsets = [0, 0], sizes = [2000, 128], strides = [1, 1]} : vector<2000x256xf32> to vector<2000x128xf32>
    %swap3A = arith.constant 0 : index
    %swap3A_6 = arith.constant 0 : index
    %swap3A_7 = arith.constant 0 : index
    %swap3A_8 = vector.load %arg4[%swap3A, %swap3A_6, %swap3A_7] : memref<2x2000x128xf32, #tpu.memory_space<vmem>>, vector<1x2000x128xf32>
    %swap3A_9 = vector.shape_cast %swap3A_8 : vector<1x2000x128xf32> to vector<2000x128xf32>
    %swap3A_10 = vector.shape_cast %slice3A : vector<2000x128xf32> to vector<1x2000x128xf32>
    tpu.vector_store %arg4[%swap3A, %swap3A_6, %swap3A_7], %swap3A_10 {strides = array<i32>} : memref<2x2000x128xf32, #tpu.memory_space<vmem>>, vector<1x2000x128xf32>,
    %slice3A_11 = vector.extract_strided_slice %dot_general3A_5 {offsets = [0, 128], sizes = [2000, 128], strides = [1, 1]} : vector<2000x256xf32> to vector<2000x128xf32>
    %swap3A_12 = arith.constant 1 : index
    %swap3A_13 = arith.constant 0 : index
    %swap3A_14 = arith.constant 0 : index
    %swap3A_15 = vector.load %arg4[%swap3A_12, %swap3A_13, %swap3A_14] : memref<2x2000x128xf32, #tpu.memory_space<vmem>>, vector<1x2000x128xf32>
    %swap3A_16 = vector.shape_cast %swap3A_15 : vector<1x2000x128xf32> to vector<2000x128xf32>
    %swap3A_17 = vector.shape_cast %slice3A_11 : vector<2000x128xf32> to vector<1x2000x128xf32>
    tpu.vector_store %arg4[%swap3A_12, %swap3A_13, %swap3A_14], %swap3A_17 {strides = array<i32>} : memref<2x2000x128xf32, #tpu.memory_space<vmem>>, vector<1x2000x128xf32>,
    %get3A_18 = arith.constant 0 : index
    %get3A_19 = arith.constant 0 : index
    %get3A_20 = vector.load %arg3[%get3A_18, %get3A_19] : memref<512x256xf32, #tpu.memory_space<vmem>>, vector<512x256xf32>
    %dot_general3A_21 = arith.constant dense<0.000000e+00> : vector<2000x256xf32>
    %dot_general3A_22 = tpu.matmul %get3A_1, %get3A_20, %dot_general3A_21 {dimension_numbers = #tpu.dot_dimension_numbers<[1], [0], [0], [1], [0, 0, 1, 1], [], []>, transpose_lhs_hint = false} : vector<2000x512xf32>, vector<512x256xf32>, vector<2000x256xf32> -> vector<2000x256xf32>
    %swap3A_23 = arith.constant 0 : index
    %swap3A_24 = arith.constant 0 : index
    %swap3A_25 = vector.load %arg5[%swap3A_23, %swap3A_24] : memref<2000x256xf32, #tpu.memory_space<vmem>>, vector<2000x256xf32>
    tpu.vector_store %arg5[%swap3A_23, %swap3A_24], %dot_general3A_22 {strides = array<i32>} : memref<2000x256xf32, #tpu.memory_space<vmem>>, vector<2000x256xf32>,
    return
  }
  func.func @transform_0(%arg0: i32) -> (i32, i32) {
    %c0_i32 = arith.constant 0 : i32
    %c0_i32_0 = arith.constant 0 : i32
    return %arg0, %c0_i32 : i32, i32
  }
  func.func @transform_1(%arg0: i32) -> (i32, i32) {
    %c0_i32 = arith.constant 0 : i32
    %c0_i32_0 = arith.constant 0 : i32
    %c0_i32_1 = arith.constant 0 : i32
    return %c0_i32, %c0_i32_0 : i32, i32
  }
  func.func @transform_2(%arg0: i32) -> (i32, i32) {
    %c0_i32 = arith.constant 0 : i32
    %c0_i32_0 = arith.constant 0 : i32
    %c0_i32_1 = arith.constant 0 : i32
    return %c0_i32, %c0_i32_0 : i32, i32
  }
  func.func @transform_3(%arg0: i32) -> (i32, i32, i32) {
    %c0_i32 = arith.constant 0 : i32
    %c0_i32_0 = arith.constant 0 : i32
    %c0_i32_1 = arith.constant 0 : i32
    return %c0_i32, %arg0, %c0_i32_0 : i32, i32, i32
  }
  func.func @transform_4(%arg0: i32) -> (i32, i32) {
    %c0_i32 = arith.constant 0 : i32
    %c0_i32_0 = arith.constant 0 : i32
    return %arg0, %c0_i32 : i32, i32
  }
}

module attributes {stable_mosaic.version = 14 : i64} {
  func.func @_mlp_body(%arg0: i32, %arg1: memref<2x2000x128xf32, #tpu.memory_space<vmem>>, %arg2: memref<2x2000x128xf32, #tpu.memory_space<vmem>>, %arg3: memref<2000x256xf32, #tpu.memory_space<vmem>>, %arg4: memref<1x256xf32, #tpu.memory_space<vmem>>, %arg5: memref<256x128xf32, #tpu.memory_space<vmem>>, %arg6: memref<1x128xf32, #tpu.memory_space<vmem>>, %arg7: memref<128x64xf32, #tpu.memory_space<vmem>>, %arg8: memref<1x64xf32, #tpu.memory_space<vmem>>, %arg9: memref<64x32xf32, #tpu.memory_space<vmem>>, %arg10: memref<1x32xf32, #tpu.memory_space<vmem>>, %arg11: memref<32x8xf32, #tpu.memory_space<vmem>>, %arg12: memref<1x8xf32, #tpu.memory_space<vmem>>, %arg13: memref<2000x16xf32, #tpu.memory_space<vmem>>, %arg14: memref<2000x16xf32, #tpu.memory_space<vmem>>) attributes {dimension_semantics = [#tpu.dimension_semantics<arbitrary>], iteration_bounds = array<i64: 5>, scalar_prefetch = 0 : i64, scratch_operands = 0 : i64, tpu.core_type = #tpu.core_type<tc>, window_params = [{transform_indices = @transform_0, window_bounds = array<i64: 2, 2000, 128>}, {transform_indices = @transform_1, window_bounds = array<i64: 2, 2000, 128>}, {transform_indices = @transform_2, window_bounds = array<i64: 2000, 256>}, {pipeline_mode = #tpu.pipeline_mode<synchronous>, transform_indices = @transform_3, window_bounds = array<i64: 1, 256>}, {pipeline_mode = #tpu.pipeline_mode<synchronous>, transform_indices = @transform_4, window_bounds = array<i64: 256, 128>}, {pipeline_mode = #tpu.pipeline_mode<synchronous>, transform_indices = @transform_5, window_bounds = array<i64: 1, 128>}, {pipeline_mode = #tpu.pipeline_mode<synchronous>, transform_indices = @transform_6, window_bounds = array<i64: 128, 64>}, {pipeline_mode = #tpu.pipeline_mode<synchronous>, transform_indices = @transform_7, window_bounds = array<i64: 1, 64>}, {pipeline_mode = #tpu.pipeline_mode<synchronous>, transform_indices = @transform_8, window_bounds = array<i64: 64, 32>}, {pipeline_mode = #tpu.pipeline_mode<synchronous>, transform_indices = @transform_9, window_bounds = array<i64: 1, 32>}, {pipeline_mode = #tpu.pipeline_mode<synchronous>, transform_indices = @transform_10, window_bounds = array<i64: 32, 8>}, {pipeline_mode = #tpu.pipeline_mode<synchronous>, transform_indices = @transform_11, window_bounds = array<i64: 1, 8>}, {transform_indices = @transform_12, window_bounds = array<i64: 2000, 16>}, {transform_indices = @transform_13, window_bounds = array<i64: 2000, 16>}]} {
    %get3A = arith.constant 0 : index
    %get3A_0 = arith.constant 0 : index
    %get3A_1 = arith.constant 0 : index
    %get3A_2 = vector.load %arg2[%get3A, %get3A_0, %get3A_1] : memref<2x2000x128xf32, #tpu.memory_space<vmem>>, vector<1x2000x1xf32>
    %get3A_3 = vector.shape_cast %get3A_2 : vector<1x2000x1xf32> to vector<2000x1xf32>
    %get3A_4 = arith.constant 1 : index
    %get3A_5 = arith.constant 0 : index
    %get3A_6 = arith.constant 0 : index
    %get3A_7 = vector.load %arg2[%get3A_4, %get3A_5, %get3A_6] : memref<2x2000x128xf32, #tpu.memory_space<vmem>>, vector<1x2000x1xf32>
    %get3A_8 = vector.shape_cast %get3A_7 : vector<1x2000x1xf32> to vector<2000x1xf32>
    %add3A = arith.addf %get3A_3, %get3A_8 : vector<2000x1xf32>
    %max3A = arith.constant 1.000000e+00 : f32
    %max3A_9 = vector.broadcast %max3A : f32 to vector<2000x1xf32>
    %max3A_10 = arith.maximumf %add3A, %max3A_9 : vector<2000x1xf32>
    %div3A = arith.constant 1.000000e+00 : f32
    %div3A_11 = vector.broadcast %div3A : f32 to vector<2000x1xf32>
    %div3A_12 = arith.divf %div3A_11, %max3A_10 : vector<2000x1xf32>
    %get3A_13 = arith.constant 0 : index
    %get3A_14 = arith.constant 0 : index
    %get3A_15 = arith.constant 0 : index
    %get3A_16 = vector.load %arg1[%get3A_13, %get3A_14, %get3A_15] : memref<2x2000x128xf32, #tpu.memory_space<vmem>>, vector<1x2000x128xf32>
    %get3A_17 = vector.shape_cast %get3A_16 : vector<1x2000x128xf32> to vector<2000x128xf32>
    %mul3A = vector.broadcast %div3A_12 : vector<2000x1xf32> to vector<2000x128xf32>
    %mul3A_18 = arith.mulf %get3A_17, %mul3A : vector<2000x128xf32>
    %get3A_19 = arith.constant 1 : index
    %get3A_20 = arith.constant 0 : index
    %get3A_21 = arith.constant 0 : index
    %get3A_22 = vector.load %arg1[%get3A_19, %get3A_20, %get3A_21] : memref<2x2000x128xf32, #tpu.memory_space<vmem>>, vector<1x2000x128xf32>
    %get3A_23 = vector.shape_cast %get3A_22 : vector<1x2000x128xf32> to vector<2000x128xf32>
    %mul3A_24 = vector.broadcast %div3A_12 : vector<2000x1xf32> to vector<2000x128xf32>
    %mul3A_25 = arith.mulf %get3A_23, %mul3A_24 : vector<2000x128xf32>
    %concatenate3A = tpu.concatenate %mul3A_18, %mul3A_25 in 1 : vector<2000x128xf32>, vector<2000x128xf32> -> vector<2000x256xf32>
    %get3A_26 = arith.constant 0 : index
    %get3A_27 = arith.constant 0 : index
    %get3A_28 = vector.load %arg4[%get3A_26, %get3A_27] : memref<1x256xf32, #tpu.memory_space<vmem>>, vector<1x256xf32>
    %add3A_29 = vector.broadcast %get3A_28 : vector<1x256xf32> to vector<2000x256xf32>
    %add3A_30 = arith.addf %concatenate3A, %add3A_29 : vector<2000x256xf32>
    %get3A_31 = arith.constant 0 : index
    %get3A_32 = arith.constant 0 : index
    %get3A_33 = vector.load %arg3[%get3A_31, %get3A_32] : memref<2000x256xf32, #tpu.memory_space<vmem>>, vector<2000x256xf32>
    %add3A_34 = arith.addf %add3A_30, %get3A_33 : vector<2000x256xf32>
    %max3A_35 = arith.constant 0.000000e+00 : f32
    %max3A_36 = vector.broadcast %max3A_35 : f32 to vector<2000x256xf32>
    %max3A_37 = arith.maximumf %add3A_34, %max3A_36 : vector<2000x256xf32>
    %get3A_38 = arith.constant 0 : index
    %get3A_39 = arith.constant 0 : index
    %get3A_40 = vector.load %arg5[%get3A_38, %get3A_39] : memref<256x128xf32, #tpu.memory_space<vmem>>, vector<256x128xf32>
    %dot_general3A = arith.constant dense<0.000000e+00> : vector<2000x128xf32>
    %dot_general3A_41 = tpu.matmul %max3A_37, %get3A_40, %dot_general3A {dimension_numbers = #tpu.dot_dimension_numbers<[1], [0], [0], [1], [0, 0, 1, 1], [], []>, transpose_lhs_hint = false} : vector<2000x256xf32>, vector<256x128xf32>, vector<2000x128xf32> -> vector<2000x128xf32>
    %get3A_42 = arith.constant 0 : index
    %get3A_43 = arith.constant 0 : index
    %get3A_44 = vector.load %arg6[%get3A_42, %get3A_43] : memref<1x128xf32, #tpu.memory_space<vmem>>, vector<1x128xf32>
    %add3A_45 = vector.broadcast %get3A_44 : vector<1x128xf32> to vector<2000x128xf32>
    %add3A_46 = arith.addf %dot_general3A_41, %add3A_45 : vector<2000x128xf32>
    %max3A_47 = arith.constant 0.000000e+00 : f32
    %max3A_48 = vector.broadcast %max3A_47 : f32 to vector<2000x128xf32>
    %max3A_49 = arith.maximumf %add3A_46, %max3A_48 : vector<2000x128xf32>
    %get3A_50 = arith.constant 0 : index
    %get3A_51 = arith.constant 0 : index
    %get3A_52 = vector.load %arg7[%get3A_50, %get3A_51] : memref<128x64xf32, #tpu.memory_space<vmem>>, vector<128x64xf32>
    %dot_general3A_53 = arith.constant dense<0.000000e+00> : vector<2000x64xf32>
    %dot_general3A_54 = tpu.matmul %max3A_49, %get3A_52, %dot_general3A_53 {dimension_numbers = #tpu.dot_dimension_numbers<[1], [0], [0], [1], [0, 0, 1, 1], [], []>, transpose_lhs_hint = false} : vector<2000x128xf32>, vector<128x64xf32>, vector<2000x64xf32> -> vector<2000x64xf32>
    %get3A_55 = arith.constant 0 : index
    %get3A_56 = arith.constant 0 : index
    %get3A_57 = vector.load %arg8[%get3A_55, %get3A_56] : memref<1x64xf32, #tpu.memory_space<vmem>>, vector<1x64xf32>
    %add3A_58 = vector.broadcast %get3A_57 : vector<1x64xf32> to vector<2000x64xf32>
    %add3A_59 = arith.addf %dot_general3A_54, %add3A_58 : vector<2000x64xf32>
    %max3A_60 = arith.constant 0.000000e+00 : f32
    %max3A_61 = vector.broadcast %max3A_60 : f32 to vector<2000x64xf32>
    %max3A_62 = arith.maximumf %add3A_59, %max3A_61 : vector<2000x64xf32>
    %get3A_63 = arith.constant 0 : index
    %get3A_64 = arith.constant 0 : index
    %get3A_65 = vector.load %arg9[%get3A_63, %get3A_64] : memref<64x32xf32, #tpu.memory_space<vmem>>, vector<64x32xf32>
    %dot_general3A_66 = arith.constant dense<0.000000e+00> : vector<2000x32xf32>
    %dot_general3A_67 = tpu.matmul %max3A_62, %get3A_65, %dot_general3A_66 {dimension_numbers = #tpu.dot_dimension_numbers<[1], [0], [0], [1], [0, 0, 1, 1], [], []>, transpose_lhs_hint = false} : vector<2000x64xf32>, vector<64x32xf32>, vector<2000x32xf32> -> vector<2000x32xf32>
    %get3A_68 = arith.constant 0 : index
    %get3A_69 = arith.constant 0 : index
    %get3A_70 = vector.load %arg10[%get3A_68, %get3A_69] : memref<1x32xf32, #tpu.memory_space<vmem>>, vector<1x32xf32>
    %add3A_71 = vector.broadcast %get3A_70 : vector<1x32xf32> to vector<2000x32xf32>
    %add3A_72 = arith.addf %dot_general3A_67, %add3A_71 : vector<2000x32xf32>
    %max3A_73 = arith.constant 0.000000e+00 : f32
    %max3A_74 = vector.broadcast %max3A_73 : f32 to vector<2000x32xf32>
    %max3A_75 = arith.maximumf %add3A_72, %max3A_74 : vector<2000x32xf32>
    %get3A_76 = arith.constant 0 : index
    %get3A_77 = arith.constant 0 : index
    %get3A_78 = vector.load %arg11[%get3A_76, %get3A_77] : memref<32x8xf32, #tpu.memory_space<vmem>>, vector<32x8xf32>
    %dot_general3A_79 = arith.constant dense<0.000000e+00> : vector<2000x8xf32>
    %dot_general3A_80 = tpu.matmul %max3A_75, %get3A_78, %dot_general3A_79 {dimension_numbers = #tpu.dot_dimension_numbers<[1], [0], [0], [1], [0, 0, 1, 1], [], []>, transpose_lhs_hint = false} : vector<2000x32xf32>, vector<32x8xf32>, vector<2000x8xf32> -> vector<2000x8xf32>
    %get3A_81 = arith.constant 0 : index
    %get3A_82 = arith.constant 0 : index
    %get3A_83 = vector.load %arg12[%get3A_81, %get3A_82] : memref<1x8xf32, #tpu.memory_space<vmem>>, vector<1x8xf32>
    %add3A_84 = vector.broadcast %get3A_83 : vector<1x8xf32> to vector<2000x8xf32>
    %add3A_85 = arith.addf %dot_general3A_80, %add3A_84 : vector<2000x8xf32>
    %slice3A = vector.extract_strided_slice %add3A_85 {offsets = [0, 0], sizes = [2000, 3], strides = [1, 1]} : vector<2000x8xf32> to vector<2000x3xf32>
    %mul3A_86 = arith.mulf %slice3A, %slice3A : vector<2000x3xf32>
    %reduce_sum3A = arith.constant dense<0.000000e+00> : vector<2000xf32>
    %reduce_sum3A_87 = vector.multi_reduction <add>, %mul3A_86, %reduce_sum3A [1] : vector<2000x3xf32> to vector<2000xf32>
    %broadcast_in_dim3A = vector.shape_cast %reduce_sum3A_87 : vector<2000xf32> to vector<2000x1xf32>
    %convert_element_type3A = arith.truncf %slice3A : vector<2000x3xf32> to vector<2000x3xbf16>
    %convert_element_type3A_88 = arith.extf %convert_element_type3A : vector<2000x3xbf16> to vector<2000x3xf32>
    %sub3A = arith.subf %slice3A, %convert_element_type3A_88 : vector<2000x3xf32>
    %convert_element_type3A_89 = arith.truncf %broadcast_in_dim3A : vector<2000x1xf32> to vector<2000x1xbf16>
    %convert_element_type3A_90 = arith.extf %convert_element_type3A_89 : vector<2000x1xbf16> to vector<2000x1xf32>
    %sub3A_91 = arith.subf %broadcast_in_dim3A, %convert_element_type3A_90 : vector<2000x1xf32>
    %broadcast_in_dim3A_92 = arith.constant 1.000000e+00 : f32
    %broadcast_in_dim3A_93 = vector.broadcast %broadcast_in_dim3A_92 : f32 to vector<2000x1xf32>
    %broadcast_in_dim3A_94 = arith.constant 0.000000e+00 : f32
    %broadcast_in_dim3A_95 = vector.broadcast %broadcast_in_dim3A_94 : f32 to vector<2000x3xf32>
    %concatenate3A_96 = tpu.concatenate %convert_element_type3A_88, %convert_element_type3A_88, %sub3A, %convert_element_type3A_90, %sub3A_91, %broadcast_in_dim3A_93, %broadcast_in_dim3A_93, %broadcast_in_dim3A_95 in 1 : vector<2000x3xf32>, vector<2000x3xf32>, vector<2000x3xf32>, vector<2000x1xf32>, vector<2000x1xf32>, vector<2000x1xf32>, vector<2000x1xf32>, vector<2000x3xf32> -> vector<2000x16xf32>
    %swap3A = arith.constant 0 : index
    %swap3A_97 = arith.constant 0 : index
    %swap3A_98 = vector.load %arg13[%swap3A, %swap3A_97] : memref<2000x16xf32, #tpu.memory_space<vmem>>, vector<2000x16xf32>
    tpu.vector_store %arg13[%swap3A, %swap3A_97], %concatenate3A_96 {strides = array<i32>} : memref<2000x16xf32, #tpu.memory_space<vmem>>, vector<2000x16xf32>,
    %mul3A_99 = arith.constant -2.000000e+00 : f32
    %mul3A_100 = vector.broadcast %mul3A_99 : f32 to vector<2000x3xf32>
    %mul3A_101 = arith.mulf %mul3A_100, %convert_element_type3A_88 : vector<2000x3xf32>
    %mul3A_102 = arith.constant -2.000000e+00 : f32
    %mul3A_103 = vector.broadcast %mul3A_102 : f32 to vector<2000x3xf32>
    %mul3A_104 = arith.mulf %mul3A_103, %sub3A : vector<2000x3xf32>
    %mul3A_105 = arith.constant -2.000000e+00 : f32
    %mul3A_106 = vector.broadcast %mul3A_105 : f32 to vector<2000x3xf32>
    %mul3A_107 = arith.mulf %mul3A_106, %convert_element_type3A_88 : vector<2000x3xf32>
    %concatenate3A_108 = tpu.concatenate %mul3A_101, %mul3A_104, %mul3A_107, %broadcast_in_dim3A_93, %broadcast_in_dim3A_93, %convert_element_type3A_90, %sub3A_91, %broadcast_in_dim3A_95 in 1 : vector<2000x3xf32>, vector<2000x3xf32>, vector<2000x3xf32>, vector<2000x1xf32>, vector<2000x1xf32>, vector<2000x1xf32>, vector<2000x1xf32>, vector<2000x3xf32> -> vector<2000x16xf32>
    %swap3A_109 = arith.constant 0 : index
    %swap3A_110 = arith.constant 0 : index
    %swap3A_111 = vector.load %arg14[%swap3A_109, %swap3A_110] : memref<2000x16xf32, #tpu.memory_space<vmem>>, vector<2000x16xf32>
    tpu.vector_store %arg14[%swap3A_109, %swap3A_110], %concatenate3A_108 {strides = array<i32>} : memref<2000x16xf32, #tpu.memory_space<vmem>>, vector<2000x16xf32>,
    return
  }
  func.func @transform_0(%arg0: i32) -> (i32, i32, i32) {
    %c0_i32 = arith.constant 0 : i32
    %c0_i32_0 = arith.constant 0 : i32
    %c0_i32_1 = arith.constant 0 : i32
    return %c0_i32, %arg0, %c0_i32_0 : i32, i32, i32
  }
  func.func @transform_1(%arg0: i32) -> (i32, i32, i32) {
    %c0_i32 = arith.constant 0 : i32
    %c0_i32_0 = arith.constant 0 : i32
    %c0_i32_1 = arith.constant 0 : i32
    return %c0_i32, %arg0, %c0_i32_0 : i32, i32, i32
  }
  func.func @transform_2(%arg0: i32) -> (i32, i32) {
    %c0_i32 = arith.constant 0 : i32
    %c0_i32_0 = arith.constant 0 : i32
    return %arg0, %c0_i32 : i32, i32
  }
  func.func @transform_3(%arg0: i32) -> (i32, i32) {
    %c0_i32 = arith.constant 0 : i32
    %c0_i32_0 = arith.constant 0 : i32
    %c0_i32_1 = arith.constant 0 : i32
    return %c0_i32, %c0_i32_0 : i32, i32
  }
  func.func @transform_4(%arg0: i32) -> (i32, i32) {
    %c0_i32 = arith.constant 0 : i32
    %c0_i32_0 = arith.constant 0 : i32
    %c0_i32_1 = arith.constant 0 : i32
    return %c0_i32, %c0_i32_0 : i32, i32
  }
  func.func @transform_5(%arg0: i32) -> (i32, i32) {
    %c0_i32 = arith.constant 0 : i32
    %c0_i32_0 = arith.constant 0 : i32
    %c0_i32_1 = arith.constant 0 : i32
    return %c0_i32, %c0_i32_0 : i32, i32
  }
  func.func @transform_6(%arg0: i32) -> (i32, i32) {
    %c0_i32 = arith.constant 0 : i32
    %c0_i32_0 = arith.constant 0 : i32
    %c0_i32_1 = arith.constant 0 : i32
    return %c0_i32, %c0_i32_0 : i32, i32
  }
  func.func @transform_7(%arg0: i32) -> (i32, i32) {
    %c0_i32 = arith.constant 0 : i32
    %c0_i32_0 = arith.constant 0 : i32
    %c0_i32_1 = arith.constant 0 : i32
    return %c0_i32, %c0_i32_0 : i32, i32
  }
  func.func @transform_8(%arg0: i32) -> (i32, i32) {
    %c0_i32 = arith.constant 0 : i32
    %c0_i32_0 = arith.constant 0 : i32
    %c0_i32_1 = arith.constant 0 : i32
    return %c0_i32, %c0_i32_0 : i32, i32
  }
  func.func @transform_9(%arg0: i32) -> (i32, i32) {
    %c0_i32 = arith.constant 0 : i32
    %c0_i32_0 = arith.constant 0 : i32
    %c0_i32_1 = arith.constant 0 : i32
    return %c0_i32, %c0_i32_0 : i32, i32
  }
  func.func @transform_10(%arg0: i32) -> (i32, i32) {
    %c0_i32 = arith.constant 0 : i32
    %c0_i32_0 = arith.constant 0 : i32
    %c0_i32_1 = arith.constant 0 : i32
    return %c0_i32, %c0_i32_0 : i32, i32
  }
  func.func @transform_11(%arg0: i32) -> (i32, i32) {
    %c0_i32 = arith.constant 0 : i32
    %c0_i32_0 = arith.constant 0 : i32
    %c0_i32_1 = arith.constant 0 : i32
    return %c0_i32, %c0_i32_0 : i32, i32
  }
  func.func @transform_12(%arg0: i32) -> (i32, i32) {
    %c0_i32 = arith.constant 0 : i32
    %c0_i32_0 = arith.constant 0 : i32
    return %arg0, %c0_i32 : i32, i32
  }
  func.func @transform_13(%arg0: i32) -> (i32, i32) {
    %c0_i32 = arith.constant 0 : i32
    %c0_i32_0 = arith.constant 0 : i32
    return %arg0, %c0_i32 : i32, i32
  }
}

module attributes {stable_mosaic.version = 14 : i64} {
  func.func @_cdist_body(%arg0: i32, %arg1: i32, %arg2: memref<2000x16xf32, #tpu.memory_space<vmem>>, %arg3: memref<2048x16xf32, #tpu.memory_space<vmem>>, %arg4: memref<2000x2048xf32, #tpu.memory_space<vmem>>) attributes {dimension_semantics = [#tpu.dimension_semantics<arbitrary>, #tpu.dimension_semantics<arbitrary>], iteration_bounds = array<i64: 5, 5>, scalar_prefetch = 0 : i64, scratch_operands = 0 : i64, tpu.core_type = #tpu.core_type<tc>, window_params = [{transform_indices = @transform_0, window_bounds = array<i64: 2000, 16>}, {transform_indices = @transform_1, window_bounds = array<i64: 2048, 16>}, {transform_indices = @transform_2, window_bounds = array<i64: 2000, 2048>}]} {
    %get3A = arith.constant 0 : index
    %get3A_0 = arith.constant 0 : index
    %get3A_1 = vector.load %arg2[%get3A, %get3A_0] : memref<2000x16xf32, #tpu.memory_space<vmem>>, vector<2000x16xf32>
    %get3A_2 = arith.constant 0 : index
    %get3A_3 = arith.constant 0 : index
    %get3A_4 = vector.load %arg3[%get3A_2, %get3A_3] : memref<2048x16xf32, #tpu.memory_space<vmem>>, vector<2048x16xf32>
    %dot_general3A = arith.constant dense<0.000000e+00> : vector<2000x2048xf32>
    %dot_general3A_5 = tpu.matmul %get3A_1, %get3A_4, %dot_general3A {dimension_numbers = #tpu.dot_dimension_numbers<[1], [1], [0], [0], [0, 0, 1, 0], [], []>, transpose_lhs_hint = false} : vector<2000x16xf32>, vector<2048x16xf32>, vector<2000x2048xf32> -> vector<2000x2048xf32>
    %max3A = arith.constant 1.000000e-24 : f32
    %max3A_6 = vector.broadcast %max3A : f32 to vector<2000x2048xf32>
    %max3A_7 = arith.maximumf %dot_general3A_5, %max3A_6 : vector<2000x2048xf32>
    %sqrt3A = math.sqrt %max3A_7 : vector<2000x2048xf32>
    %swap3A = arith.constant 0 : index
    %swap3A_8 = arith.constant 0 : index
    %swap3A_9 = vector.load %arg4[%swap3A, %swap3A_8] : memref<2000x2048xf32, #tpu.memory_space<vmem>>, vector<2000x2048xf32>
    tpu.vector_store %arg4[%swap3A, %swap3A_8], %sqrt3A {strides = array<i32>} : memref<2000x2048xf32, #tpu.memory_space<vmem>>, vector<2000x2048xf32>,
    return
  }
  func.func @transform_0(%arg0: i32, %arg1: i32) -> (i32, i32) {
    %c0_i32 = arith.constant 0 : i32
    %c0_i32_0 = arith.constant 0 : i32
    return %arg0, %c0_i32 : i32, i32
  }
  func.func @transform_1(%arg0: i32, %arg1: i32) -> (i32, i32) {
    %c0_i32 = arith.constant 0 : i32
    %c0_i32_0 = arith.constant 0 : i32
    return %arg1, %c0_i32 : i32, i32
  }
  func.func @transform_2(%arg0: i32, %arg1: i32) -> (i32, i32) {
    %c0_i32 = arith.constant 0 : i32
    return %arg0, %arg1 : i32, i32
  }
}

</mosaic_0001>

<sc_bundles>
// kernel: kernel.10.cloned.1.call-start
scs
__scs_entry_jumppad:
0x0: {  	(pc) =	sbr.rel $0x88, $3  }
0x1: {  	(tag) =	ssettag $0x0;
	lr =	simm.s32 $0x1  }
0x2: {  	[smem:$0x3F94] =	sst lr;
	_ =	strace $0xD0000000  }
0x3: {  	_ = 	snop  }
0x4: {  	_ = 	snop  }
0x5: {  	_ = 	snop  }
0x6: {  	_ = 	snop  }
0x7: {  	_ = 	snop  }
__scs_overlays_trampoline_lowered:
0x8: {  	[smem:$0x3FA3] =	sst s0  }
0x9: {  	[smem:$0x3FA4] =	sst s1  }
0xa: {  	[smem:$0x3FA5] =	sst s2  }
0xb: {  	[smem:$0x3FA6] =	sst s3  }
0xc: {  	[smem:$0x3FA7] =	sst s4  }
0xd: {  	[smem:$0x3FA8] =	sst s5  }
0xe: {  	[smem:$0x3FA9] =	sst s6  }
0xf: {  	[smem:$0x3FAA] =	sst s7  }
0x10: {  	[smem:$0x3FAB] =	sst s8  }
0x11: {  	[smem:$0x3FAC] =	sst s9;
	s0 =	simm.s32 @!p0 $0x0  }
0x12: {  	s1 =	sld [smem:$0x3F92];
	s0 =	simm.s32 @p0 $0x1  }
0x13: {  	[smem:$0x3FAD] =	sst s0;
	s0 =	simm.s32 @!p1 $0x0  }
0x14: {  	s2 =	sld [smem:$0x3F91];
	s0 =	simm.s32 @p1 $0x1  }
0x15: {  	[smem:$0x3FAE] =	sst s0;
	s0 =	simm.s32 @!p2 $0x0  }
0x16: {  	s3 =	sld [smem:$0x3FDB];
	s0 =	simm.s32 @p2 $0x1  }
0x17: {  	s4 =	simm.s32 $0x1BF5;
	[smem:$0x3FB0] =	sst s0  }
0x18: {  	s0 =	sld [smem:$0x3F93];
	_ =	swait.ge [sflag:s4], $0x0  }
0x19: {  	s7 =	sld [smem:$0x3F94]  }
0x1a: {  	s8 =	sadd.s32 $0xFFFFE003, lr  }
0x1b: {  	s9 =	sadd.s32 $0xFFFFFEF7, lr;
	s5 =	simm.s32 $0xFFFFFFFF;
	p2 =	slt.u32 s8, $0xFFFFF086  }
0x1c: {  	p1 =	slt.u32 s9, $0xF7A;
	s5 =	simm.s32 @!p2 $0x0  }
0x1d: {  	s5 =	simm.s32 @p1 $0x1;
	p0 =	seq.s32 s7, s2  }
0x1e: {  	s7 =	smul.u32 @!p0 $0xF7A, s2;
	p2 =	seq.s32 @!p0 s5, $0x0  }
0x1f: {  	s9 =	smul.u32 $0xF7A, s1;
	s8 =	simm.s32 @!p0 $0x1BF5;
	p2 =	por !p2, p0  }
0x20: {  	[sflag:s8] =	ssyncset.s32 @!p0 $0xFFFFF086;
	s6 =	sadd.s32 @!p0 s3, s7;
	s7 =	simm.s32 @!p0 $0x108  }
0x21: {  	s3 =	sadd.s32 s3, s9;
	s6 =	sadd.s32 @!p0 $0x88, s6;
	s7 =	simm.s32 @p2 $0x1082  }
0x22: {  	[simem:s7], [sflag:s8] =	dma.local @!p0 [hbm:s6], $0xF7A  }
0x23: {  	s9 =	sor.u32 $0xD0000000, s2;
	s6 =	simm.s32 $0x108;
	_ =	swait.ge @!p0 [sflag:s8], $0x0  }
0x24: {  	s3 =	sadd.s32 $0x88, s3;
	s6 =	simm.s32 @!p1 $0x1082;
	[sflag:s4] =	ssyncset.s32 $0xFFFFF086  }
0x25: {  	[simem:s6], [sflag:s4] =	dma.local [hbm:s3], $0xF7A  }
0x26: {  	[smem:$0x3F94] =	sst s1;
	(tag) =	ssettag s2;
	_ =	strace s9  }
0x27: {  	s1 =	sld [smem:$0x3FA4]  }
0x28: {  	s2 =	sld [smem:$0x3FA5]  }
0x29: {  	s4 =	sld [smem:$0x3FA7]  }
0x2a: {  	p0 =	seq.s32 s5, $0x0;
	s5 =	sld [smem:$0x3FA8]  }
0x2b: {  	s6 =	sld [smem:$0x3FA9]  }
0x2c: {  	s7 =	sld [smem:$0x3FAA]  }
0x2d: {  	s3 =	simm.s32 $0x108;
	s8 =	sld [smem:$0x3FAB]  }
0x2e: {  	s3 =	simm.s32 @!p0 $0x1082;
	s9 =	sld [smem:$0x3FAC]  }
0x2f: {  	lr =	sadd.s32 s0, s3;
	s0 =	sld [smem:$0x3FA3]  }
0x30: {  	s3 =	sld [smem:$0x3FA6]  }
0x31: {  	[smem:$0x3FAF] =	sst s10  }
0x32: {  	s10 =	sld [smem:$0x3FAD];
	_ =	sdelay $0x3  }
0x33: {  	p0 =	seq.s32 s10, $0x1;
	s10 =	sld [smem:$0x3FAF];
	_ =	sdelay $0x3  }
0x34: {  	[smem:$0x3FAF] =	sst s10  }
0x35: {  	s10 =	sld [smem:$0x3FAE];
	_ =	sdelay $0x3  }
0x36: {  	p1 =	seq.s32 s10, $0x1;
	s10 =	sld [smem:$0x3FAF];
	_ =	sdelay $0x3  }
0x37: {  	[smem:$0x3FAF] =	sst s10  }
0x38: {  	s10 =	sld [smem:$0x3FB0]  }
0x39: {  	_ = 	snop;
	(pc) =	sbr.ind lr, $3  }
0x3a: {  	_ = 	snop  }
0x3b: {  	_ = 	snop  }
0x3c: {  	p2 =	seq.s32 s10, $0x1;
	s10 =	sld [smem:$0x3FAF]  }
0x3d: {  	_ =	shalt  }
0x3e: {  	_ =	shalt  }
0x3f: {  	_ =	shalt  }
0x40: {  	_ =	shalt  }
0x41: {  	_ =	shalt  }
0x42: {  	_ =	shalt  }
0x43: {  	_ =	shalt  }
0x44: {  	_ =	shalt  }
0x45: {  	_ =	shalt  }
0x46: {  	_ =	shalt  }
0x47: {  	_ =	shalt  }
0x48: {  	_ =	shalt  }
0x49: {  	_ =	shalt  }
0x4a: {  	_ =	shalt  }
0x4b: {  	_ =	shalt  }
0x4c: {  	_ =	shalt  }
0x4d: {  	_ =	shalt  }
0x4e: {  	_ =	shalt  }
0x4f: {  	_ =	shalt  }
0x50: {  	_ =	shalt  }
0x51: {  	_ =	shalt  }
0x52: {  	_ =	shalt  }
0x53: {  	_ =	shalt  }
0x54: {  	_ =	shalt  }
0x55: {  	_ =	shalt  }
0x56: {  	_ =	shalt  }
0x57: {  	_ =	shalt  }
0x58: {  	_ =	shalt  }
0x59: {  	_ =	shalt  }
0x5a: {  	_ =	shalt  }
0x5b: {  	_ =	shalt  }
0x5c: {  	_ =	shalt  }
0x5d: {  	_ =	shalt  }
0x5e: {  	_ =	shalt  }
0x5f: {  	_ =	shalt  }
0x60: {  	_ =	shalt  }
0x61: {  	_ =	shalt  }
0x62: {  	_ =	shalt  }
0x63: {  	_ =	shalt  }
0x64: {  	_ =	shalt  }
0x65: {  	_ =	shalt  }
0x66: {  	_ =	shalt  }
0x67: {  	_ =	shalt  }
0x68: {  	_ =	shalt  }
0x69: {  	_ =	shalt  }
0x6a: {  	_ =	shalt  }
0x6b: {  	_ =	shalt  }
0x6c: {  	_ =	shalt  }
0x6d: {  	_ =	shalt  }
0x6e: {  	_ =	shalt  }
0x6f: {  	_ =	shalt  }
0x70: {  	_ =	shalt  }
0x71: {  	_ =	shalt  }
0x72: {  	_ =	shalt  }
0x73: {  	_ =	shalt  }
0x74: {  	_ =	shalt  }
0x75: {  	_ =	shalt  }
0x76: {  	_ =	shalt  }
0x77: {  	_ =	shalt  }
0x78: {  	_ =	shalt  }
0x79: {  	_ =	shalt  }
0x7a: {  	_ =	shalt  }
0x7b: {  	_ =	shalt  }
0x7c: {  	_ =	shalt  }
0x7d: {  	_ =	shalt  }
0x7e: {  	_ =	shalt  }
0x7f: {  	_ =	shalt  }
0x80: {  	_ =	shalt  }
0x81: {  	_ =	shalt  }
0x82: {  	_ =	shalt  }
0x83: {  	_ =	shalt  }
0x84: {  	_ =	shalt  }
0x85: {  	_ =	shalt  }
0x86: {  	_ =	shalt  }
0x87: {  	_ =	shalt  }
.Lfunc_end0:
.L_simem_size_0:
called_computation.1_lowered:
.L_overlay_start_0:
0x88: {  	s2 =	sld [smem:$0x3FD9]  }
0x89: {  	s3 =	sld [smem:$0x3FFE];
	_ =	sdelay $0x1  }
0x8a: {  	s1 =	srdreg.scid  }
0x8b: {  	s0 =	sand.u32 $0x1, s1  }
0x8c: {  	s16 =	sshll.u32 s0, $0xA;
	s2 =	sadd.s32 s3, s2  }
0x8d: {  	s2 =	sadd.s32 s2, s16  }
0x8e: {  	[smem:$0x3FBB] =	sst s2  }
0x8f: {  	_ = 	snop  }
0x90: {  	(tm) =	ssettm $0x1  }
0x91: {  	s17 =	sld [smem:$0x3FFB];
	_ =	sdelay $0x3  }
0x92: {  	_ =	strace s17  }
0x93: {  	s2 =	sld [smem:$0x3FFC];
	_ =	sdelay $0x3  }
0x94: {  	_ =	strace s2  }
0x95: {  	s2 =	sld [smem:$0x3FFD];
	_ =	sdelay $0x3  }
0x96: {  	_ =	strace s2  }
0x97: {  	_ =	strace $0x8FFFFFFF  }
0x98: {  	s18 =	sld [smem:$0x3FDB];
	_ =	sdelay $0x1  }
0x99: {  	s19 =	simm.s32 $_scs_section_size  }
0x9a: {  	s4 =	simm.s32 $_size__tile_overlayer_lowered;
	s5 =	simm.s32 $_tile_overlayer_lowered  }
0x9b: {  	s22 =	simm.s32 $0x1BFF;
	s21 =	sshll.u32 s5, $0x1;
	s2 =	sadd.s32 s19, s18  }
0x9c: {  	s6 =	simm.s32 $0x0;
	s20 =	sshll.u32 s4, $0x1;
	s4 =	sadd.s32 s21, s2  }
0x9d: {  	[timem:s6], [sflag:s22] =	dma.local [hbm:s4], s20  }
0x9e: {  	_ =	swait.ge [sflag:s22], s20  }
0x9f: {  	s3 =	ssub.s32 $0x0, s20;
	[sflag:s22] =	ssyncset.done $0x0  }
0xa0: {  	[sflag:s22] =	ssyncadd.s32 s3;
	_ =	sdelay $0x1  }
0xa1: {  	s23 =	simm.s32 $0x1B8B  }
0xa2: {  	_ =	swait.ge [sflag:s23], $0x1  }
0xa3: {  	[sflag:s23] =	ssyncset.done $0x0  }
0xa4: {  	s25 =	simm.s32 $0x1B8E;
	s24 =	sld [smem:$0x3FFE];
	[sflag:s23] =	ssyncadd.s32 $0xFFFFFFFF  }
0xa5: {  	s26 =	simm.s32 $execute0_lowered;
	[smem:$0x3FD2] =	sst s25  }
0xa6: {  	s4 =	sshll.u32 s26, $0x1;
	_ =	strace $0x80000046;
	[dreg:$0x1] =	wrdreg $0xFFFFFFFF  }
0xa7: {  	s28 =	simm.s32 $_size_execute0_lowered;
	s2 =	sadd.s32 s2, s4;
	[dreg:$0x0] =	wrdreg $0x0  }
0xa8: {  	s4 =	sshll.u32 s28, $0x1;
	[dreg:$0x2] =	wrdreg s2  }
0xa9: {  	[dreg:$0x3] =	wrdreg s4  }
0xaa: {  	[dreg:$0x4] =	wrdreg $0xC0  }
0xab: {  	_ =	task [dreg:s6], $0x5FFFF  }
0xac: {  	[dreg:$0x1] =	wrdreg $0xFFFFFFFF  }
0xad: {  	[dreg:$0x0] =	wrdreg $0x60  }
0xae: {  	[dreg:$0x2] =	wrdreg s24  }
0xaf: {  	[dreg:$0x3] =	wrdreg $0x70000  }
0xb0: {  	[dreg:$0x4] =	wrdreg $0xA  }
0xb1: {  	_ =	task.clear_ibuf [dreg:s6], $0x5FFFF;
	_ =	strace $0x90000046  }
0xb2: {  	s29 =	simm.s32 $0xA;
	_ =	strace $0x80000048  }
0xb3: {  	_ =	swait.ge [sflag:s29], $0x1  }
0xb4: {  	[sflag:s29] =	ssyncadd.s32 $0xFFFFFFFF  }
0xb5: {  	_ =	strace $0x90000048  }
0xb6: {  	_ =	sfence  }
0xb7: {  	s30 =	sld [smem:$0x0];
	_ =	sdelay $0x2  }
0xb8: {  	s31 =	sshll.u32 s1, $0xD;
	s1 =	sshrl.u32 s1, $0x2  }
0xb9: {  	s3 =	sand.u32 $0x4000, s31;
	s1 =	sadd.s32 s1, s30  }
0xba: {  	s0 =	sor.u32 s3, s0;
	s1 =	sshll.u32 s1, $0x11  }
0xbb: {  	s0 =	sor.u32 s1, s0  }
0xbc: {  	s0 =	sadd.s32 $0x8F2B, s0  }
0xbd: {  	[sflag:s0] =	ssyncadd.remote.s32 $0x1  }
0xbe: {  	_ =	sfence.sel $0xFFFF  }
0xbf: {  	[dreg:$0x0] =	wrdreg $0xFFFFFFFF;
	(pc) =	sbr.abs _section_cstart, $3  }
0xc0: {  	[dreg:$0x1] =	wrdreg $0xFFFFFFFF  }
0xc1: {  	_ =	task.clear_ibuf [dreg:s6], $0x2FFFF;
	_ =	strace $0x9FFFFFFF  }
0xc2: {  	(tm) =	ssettm $0x7FFFFFFF  }
0xc3: {  	_ =	shalt  }
tec
execute0_lowered:
.L_overlay_start_1:
0x0: {  	(tag) =	ssettag $0x1  }
0x1: {  	s6 =	rddreg [dreg:$0x0]  }
0x2: {  	s2 =	rddreg [dreg:$0x1]  }
0x3: {  	s0 =	rddreg [dreg:$0x2]  }
0x4: {  	s1 =	stileid.u32;
	s3 =	simm.s32 $0x0;
	s5 =	srdreg.scid  }
0x5: {  	s17 =	simm.s32 $0x2;
	s18 =	simm.s32 $0x5000;
	s4 =	smul.u32 $0xA00, s1  }
0x6: {  	s19 =	simm.s32 $0x40;
	s20 =	simm.s32 $0x1;
	s11 =	smul.u32 $0x50000, s1  }
0x7: {  	[smem:$0x7FF] =	sst s3;
	s7 =	sand.u32 $0x1, s5;
	s22 =	smul.u32 $0x2800, s1  }
0x8: {  	s5 =	sadd.s32 $0xBE00, s6;
	s30 =	sshll.u32 s1, $0x6;
	s9 =	smul.u32 $0x28000, s7  }
0x9: {  	_ =	strace $0x80000047;
	s10 =	ssub.s32 $0x2, s7;
	s31 =	smul.u32 $0xA000, s7  }
0xa: {  	s8 =	sadd.s32 s4, s6;
	s4 =	sadd.s32 $0xC200, s6;
	s28 =	sshrl.u32 s10, $0x1  }
0xb: {  	s29 =	sshrl.u32 s11, $0x2;
	s12 =	sadd.s32 s9, s6;
	s13 =	ssub.s32 s10, s28  }
0xc: {  	s6 =	smul.u32 $0x50, s7;
	s16 =	sadd.s32 s29, s2;
	s7 =	sor.u32 $0x1C02, s30  }
0xd: {  	s8 =	sadd.s32 $0x1E00, s8;
	s10 =	sshrl.u32 s31, $0x2;
	s21 =	sadd.s32 $0xEA00, s12  }
0xe: {  	s11 =	smax.u32 s13, $0x1;
	s12 =	sor.u32 $0x80, s10;
	s13 =	sor.u32 $0x100, s10  }
0xf: {  	s14 =	sor.u32 $0x180, s10;
	s15 =	sor.u32 $0x200, s10;
	s16 =	sshrl.u32 s16, $0x3  }
0x10: {  	s9 =	sor.u32 $0x4, s6;
	s21 =	sadd.s32 s22, s21;
	s22 =	simm.s32 $0x0  }
.LBB2_1:
0x11: {  	[spmem:s16], [sflag:s7] =	dma.local [hbm:s4], $0x2800  }
0x12: {  	_ =	swait.ge [sflag:s17], $0x2800  }
0x13: {  	[sflag:s17] =	ssyncset.done $0x0  }
0x14: {  	[sflag:s17] =	ssyncadd.s32 $0xFFFFD800  }
0x15: {  	[tilespmem:s3], [sflag:$0x2] =	stream.linear.gather [hbm4b:s8+s3], $0x5000, $0x38;
	[tilespmem:$0x1B000] =	vst v63  }
0x16: {  	_ =	swait.ge [sflag:s17], $0x5000  }
0x17: {  	[sflag:s17] =	ssyncset.done $0x0  }
0x18: {  	[sflag:s17] =	ssyncadd.s32 $0xFFFFB000  }
0x19: {  	[tilespmem:s18], [sflag:$0x2] =	stream.linear.gather [hbm4b:s5+s3], $0x2000, $0x38;
	[tilespmem:$0x1B000] =	vst v63  }
0x1a: {  	_ =	swait.ge [sflag:s17], $0x2000  }
0x1b: {  	[sflag:s17] =	ssyncset.done $0x0  }
0x1c: {  	[sflag:s17] =	ssyncadd.s32 $0xFFFFE000  }
0x1d: {  	[bflag:$0x0] =	sbarrier.arrive $0xFFFF  }
0x1e: {  	[spmem:s2] =	stream.indirect.scatter.add.f32 [tilespmem:s18], [sflag:$0x1], $0x80, s10, s19, $0xb8;
	[tilespmem:$0x1B000] =	vst v63  }
0x1f: {  	s23 =	sadd.s32 $0x4, s6  }
0x20: {  	[spmem:s2] =	stream.indirect.scatter.add.f32 [tilespmem:s18], [sflag:$0x1], $0x80, s12, s19, $0xb8;
	[tilespmem:$0x1B000] =	vst v63  }
0x21: {  	p0 =	slt.u32 s23, s9  }
0x22: {  	[spmem:s2] =	stream.indirect.scatter.add.f32 [tilespmem:s18], [sflag:$0x1], $0x80, s13, s19, $0xb8;
	[tilespmem:$0x1B000] =	vst v63  }
0x23: {  	s23 =	simm.s32 @!p0 $0x1  }
0x24: {  	[spmem:s2] =	stream.indirect.scatter.add.f32 [tilespmem:s18], [sflag:$0x1], $0x80, s14, s19, $0xb8;
	[tilespmem:$0x1B000] =	vst v63  }
0x25: {  	_ =	swait.ge @!p0 [sflag:s23], $0x2000  }
0x26: {  	s24 =	sadd.s32 $0x5, s6;
	s25 =	simm.s32 $0x6;
	[sflag:s23] =	ssyncset.done @!p0 $0x0  }
0x27: {  	s26 =	smov.u32 s15;
	[sflag:s23] =	ssyncadd.s32 @!p0 $0xFFFFE000;
	s23 =	sadd.s32 $0x80, s15  }
.LBB2_2:
0x28: {  	[spmem:s2] =	stream.indirect.scatter.add.f32 [tilespmem:s18], [sflag:$0x1], $0x80, s26, s19, $0xb8;
	[tilespmem:$0x1B000] =	vst v63  }
0x29: {  	p0 =	slt.u32 s24, s9;
	s24 =	sadd.s32 s25, s6;
	s25 =	sadd.s32 $0x1, s25  }
0x2a: {  	p1 =	sne.s32 s25, $0x50  }
.Ltmp0:
0x2b: {  	(pc) =	sbr.rel @p1 .LBB2_2-.Ltmp0, $4  }
0x2c: {  	s26 =	smov.u32 s23;
	s28 =	simm.s32 @!p0 $0x1  }
0x2d: {  	_ =	swait.ge @!p0 [sflag:s28], $0x2000  }
0x2e: {  	[sflag:s28] =	ssyncset.done @!p0 $0x0  }
0x2f: {  	s23 =	sadd.s32 $0x80, s23;
	[sflag:s28] =	ssyncadd.s32 @!p0 $0xFFFFE000  }
0x30: {  	[spmem:s2] =	stream.indirect.scatter.add.f32 [tilespmem:s18], [sflag:$0x1], $0x80, s26, s19, $0xb8;
	[tilespmem:$0x1B000] =	vst v63  }
0x31: {  	p0 =	slt.u32 s24, s9  }
0x32: {  	s24 =	simm.s32 @!p0 $0x1  }
0x33: {  	_ =	swait.ge @!p0 [sflag:s24], $0x2000  }
0x34: {  	[sflag:s24] =	ssyncset.done @!p0 $0x0  }
0x35: {  	[sflag:s24] =	ssyncadd.s32 @!p0 $0xFFFFE000  }
0x36: {  	[spmem:s2] =	stream.indirect.scatter.add.f32 [tilespmem:s18], [sflag:$0x1], $0x80, s23, s19, $0xb8;
	[tilespmem:$0x1B000] =	vst v63  }
0x37: {  	_ =	swait.ge [sflag:s20], $0x2000  }
0x38: {  	[sflag:s20] =	ssyncset.done $0x0  }
0x39: {  	[sflag:s20] =	ssyncadd.s32 $0xFFFFE000  }
0x3a: {  	_ =	swait.ge [sflag:s20], $0x2000  }
0x3b: {  	[sflag:s20] =	ssyncset.done $0x0  }
0x3c: {  	[sflag:s20] =	ssyncadd.s32 $0xFFFFE000  }
0x3d: {  	_ =	swait.ge [sflag:s20], $0x2000  }
0x3e: {  	[sflag:s20] =	ssyncset.done $0x0  }
0x3f: {  	[sflag:s20] =	ssyncadd.s32 $0xFFFFE000  }
0x40: {  	_ =	swait.ge [sflag:s20], $0x2000  }
0x41: {  	s22 =	sadd.s32 $0x1, s22;
	[sflag:s20] =	ssyncset.done $0x0  }
0x42: {  	p0 =	sne.s32 s22, s11;
	[sflag:s20] =	ssyncadd.s32 $0xFFFFE000  }
.Ltmp1:
0x43: {  	[bflag:$0x0] =	sbarrier.arrive $0xFFFF;
	(pc) =	sbr.rel @p0 .LBB2_1-.Ltmp1, $4  }
0x44: {  	[hbm:s21], [sflag:s7] =	dma.local [spmem:s16], $0x2800  }
0x45: {  	_ =	swait.ge [sflag:s17], $0x2800  }
0x46: {  	[sflag:s17] =	ssyncset.done $0x0  }
0x47: {  	[sflag:s17] =	ssyncadd.s32 $0xFFFFD800  }
0x48: {  	_ =	sfence.sel $0x180000  }
0x49: {  	[bflag:$0x0] =	sbarrier.arrive $0xFFFF  }
0x4a: {  	p0 =	sne.s32 s1, $0x0;
	_ =	strace $0x90000047  }
0x4b: {  	s0 =	sadd.s32 @!p0 $0x100000, s0;
	[bflag:$0x2] =	sbarrier.arrive $0xFFFF  }
0x4c: {  	[sflag:s0] =	ssyncadd.tile.s32 @!p0 $0x1;
	_ =	shalt  }
.Lfunc_end2:
_tile_overlayer_lowered:
.L_overlay_start_2:
0x4d: {  	(tag) =	ssettag $0x2  }
0x4e: {  	s0 =	rddreg [dreg:$0x0];
	s2 =	stileid.u32  }
0x4f: {  	s1 =	rddreg [dreg:$0x1];
	p0 =	sne.s32 s2, $0x0  }
0x50: {  	s3 =	rddreg [dreg:$0x2];
	[bflag:$0x3] =	sbarrier.arrive $0xFFFF;
	s2 =	simm.s32 @!p0 $0x1C02  }
0x51: {  	[timem:s3], [sflag:s2] =	dma.local @!p0 [hbm:s0], s1  }
0x52: {  	s0 =	simm.s32 @!p0 $0x2  }
0x53: {  	_ =	swait.ge @!p0 [sflag:s0], s1  }
0x54: {  	s1 =	ssub.s32 @!p0 $0x0, s1;
	[sflag:s0] =	ssyncset.done @!p0 $0x0  }
0x55: {  	[sflag:s0] =	ssyncadd.s32 @!p0 s1  }
0x56: {  	[bflag:$0x3] =	sbarrier.arrive $0xFFFF  }
0x57: {  	_ =	shalt  }

// kernel: kernel.7.cloned.1.call-start
scs
__scs_entry_jumppad:
0x0: {  	(pc) =	sbr.rel $0x88, $3  }
0x1: {  	(tag) =	ssettag $0x0;
	lr =	simm.s32 $0x1  }
0x2: {  	[smem:$0x3F94] =	sst lr;
	_ =	strace $0xD0000000  }
0x3: {  	_ = 	snop  }
0x4: {  	_ = 	snop  }
0x5: {  	_ = 	snop  }
0x6: {  	_ = 	snop  }
0x7: {  	_ = 	snop  }
__scs_overlays_trampoline_lowered:
0x8: {  	[smem:$0x3FA3] =	sst s0  }
0x9: {  	[smem:$0x3FA4] =	sst s1  }
0xa: {  	[smem:$0x3FA5] =	sst s2  }
0xb: {  	[smem:$0x3FA6] =	sst s3  }
0xc: {  	[smem:$0x3FA7] =	sst s4  }
0xd: {  	[smem:$0x3FA8] =	sst s5  }
0xe: {  	[smem:$0x3FA9] =	sst s6  }
0xf: {  	[smem:$0x3FAA] =	sst s7  }
0x10: {  	[smem:$0x3FAB] =	sst s8  }
0x11: {  	[smem:$0x3FAC] =	sst s9;
	s0 =	simm.s32 @!p0 $0x0  }
0x12: {  	s1 =	sld [smem:$0x3F92];
	s0 =	simm.s32 @p0 $0x1  }
0x13: {  	[smem:$0x3FAD] =	sst s0;
	s0 =	simm.s32 @!p1 $0x0  }
0x14: {  	s2 =	sld [smem:$0x3F91];
	s0 =	simm.s32 @p1 $0x1  }
0x15: {  	[smem:$0x3FAE] =	sst s0;
	s0 =	simm.s32 @!p2 $0x0  }
0x16: {  	s3 =	sld [smem:$0x3FDB];
	s0 =	simm.s32 @p2 $0x1  }
0x17: {  	s4 =	simm.s32 $0x1BF5;
	[smem:$0x3FB0] =	sst s0  }
0x18: {  	s0 =	sld [smem:$0x3F93];
	_ =	swait.ge [sflag:s4], $0x0  }
0x19: {  	s7 =	sld [smem:$0x3F94]  }
0x1a: {  	s8 =	sadd.s32 $0xFFFFE003, lr  }
0x1b: {  	s9 =	sadd.s32 $0xFFFFFEF7, lr;
	s5 =	simm.s32 $0xFFFFFFFF;
	p2 =	slt.u32 s8, $0xFFFFF086  }
0x1c: {  	p1 =	slt.u32 s9, $0xF7A;
	s5 =	simm.s32 @!p2 $0x0  }
0x1d: {  	s5 =	simm.s32 @p1 $0x1;
	p0 =	seq.s32 s7, s2  }
0x1e: {  	s7 =	smul.u32 @!p0 $0xF7A, s2;
	p2 =	seq.s32 @!p0 s5, $0x0  }
0x1f: {  	s9 =	smul.u32 $0xF7A, s1;
	s8 =	simm.s32 @!p0 $0x1BF5;
	p2 =	por !p2, p0  }
0x20: {  	[sflag:s8] =	ssyncset.s32 @!p0 $0xFFFFF086;
	s6 =	sadd.s32 @!p0 s3, s7;
	s7 =	simm.s32 @!p0 $0x108  }
0x21: {  	s3 =	sadd.s32 s3, s9;
	s6 =	sadd.s32 @!p0 $0x88, s6;
	s7 =	simm.s32 @p2 $0x1082  }
0x22: {  	[simem:s7], [sflag:s8] =	dma.local @!p0 [hbm:s6], $0xF7A  }
0x23: {  	s9 =	sor.u32 $0xD0000000, s2;
	s6 =	simm.s32 $0x108;
	_ =	swait.ge @!p0 [sflag:s8], $0x0  }
0x24: {  	s3 =	sadd.s32 $0x88, s3;
	s6 =	simm.s32 @!p1 $0x1082;
	[sflag:s4] =	ssyncset.s32 $0xFFFFF086  }
0x25: {  	[simem:s6], [sflag:s4] =	dma.local [hbm:s3], $0xF7A  }
0x26: {  	[smem:$0x3F94] =	sst s1;
	(tag) =	ssettag s2;
	_ =	strace s9  }
0x27: {  	s1 =	sld [smem:$0x3FA4]  }
0x28: {  	s2 =	sld [smem:$0x3FA5]  }
0x29: {  	s4 =	sld [smem:$0x3FA7]  }
0x2a: {  	p0 =	seq.s32 s5, $0x0;
	s5 =	sld [smem:$0x3FA8]  }
0x2b: {  	s6 =	sld [smem:$0x3FA9]  }
0x2c: {  	s7 =	sld [smem:$0x3FAA]  }
0x2d: {  	s3 =	simm.s32 $0x108;
	s8 =	sld [smem:$0x3FAB]  }
0x2e: {  	s3 =	simm.s32 @!p0 $0x1082;
	s9 =	sld [smem:$0x3FAC]  }
0x2f: {  	lr =	sadd.s32 s0, s3;
	s0 =	sld [smem:$0x3FA3]  }
0x30: {  	s3 =	sld [smem:$0x3FA6]  }
0x31: {  	[smem:$0x3FAF] =	sst s10  }
0x32: {  	s10 =	sld [smem:$0x3FAD];
	_ =	sdelay $0x3  }
0x33: {  	p0 =	seq.s32 s10, $0x1;
	s10 =	sld [smem:$0x3FAF];
	_ =	sdelay $0x3  }
0x34: {  	[smem:$0x3FAF] =	sst s10  }
0x35: {  	s10 =	sld [smem:$0x3FAE];
	_ =	sdelay $0x3  }
0x36: {  	p1 =	seq.s32 s10, $0x1;
	s10 =	sld [smem:$0x3FAF];
	_ =	sdelay $0x3  }
0x37: {  	[smem:$0x3FAF] =	sst s10  }
0x38: {  	s10 =	sld [smem:$0x3FB0]  }
0x39: {  	_ = 	snop;
	(pc) =	sbr.ind lr, $3  }
0x3a: {  	_ = 	snop  }
0x3b: {  	_ = 	snop  }
0x3c: {  	p2 =	seq.s32 s10, $0x1;
	s10 =	sld [smem:$0x3FAF]  }
0x3d: {  	_ =	shalt  }
0x3e: {  	_ =	shalt  }
0x3f: {  	_ =	shalt  }
0x40: {  	_ =	shalt  }
0x41: {  	_ =	shalt  }
0x42: {  	_ =	shalt  }
0x43: {  	_ =	shalt  }
0x44: {  	_ =	shalt  }
0x45: {  	_ =	shalt  }
0x46: {  	_ =	shalt  }
0x47: {  	_ =	shalt  }
0x48: {  	_ =	shalt  }
0x49: {  	_ =	shalt  }
0x4a: {  	_ =	shalt  }
0x4b: {  	_ =	shalt  }
0x4c: {  	_ =	shalt  }
0x4d: {  	_ =	shalt  }
0x4e: {  	_ =	shalt  }
0x4f: {  	_ =	shalt  }
0x50: {  	_ =	shalt  }
0x51: {  	_ =	shalt  }
0x52: {  	_ =	shalt  }
0x53: {  	_ =	shalt  }
0x54: {  	_ =	shalt  }
0x55: {  	_ =	shalt  }
0x56: {  	_ =	shalt  }
0x57: {  	_ =	shalt  }
0x58: {  	_ =	shalt  }
0x59: {  	_ =	shalt  }
0x5a: {  	_ =	shalt  }
0x5b: {  	_ =	shalt  }
0x5c: {  	_ =	shalt  }
0x5d: {  	_ =	shalt  }
0x5e: {  	_ =	shalt  }
0x5f: {  	_ =	shalt  }
0x60: {  	_ =	shalt  }
0x61: {  	_ =	shalt  }
0x62: {  	_ =	shalt  }
0x63: {  	_ =	shalt  }
0x64: {  	_ =	shalt  }
0x65: {  	_ =	shalt  }
0x66: {  	_ =	shalt  }
0x67: {  	_ =	shalt  }
0x68: {  	_ =	shalt  }
0x69: {  	_ =	shalt  }
0x6a: {  	_ =	shalt  }
0x6b: {  	_ =	shalt  }
0x6c: {  	_ =	shalt  }
0x6d: {  	_ =	shalt  }
0x6e: {  	_ =	shalt  }
0x6f: {  	_ =	shalt  }
0x70: {  	_ =	shalt  }
0x71: {  	_ =	shalt  }
0x72: {  	_ =	shalt  }
0x73: {  	_ =	shalt  }
0x74: {  	_ =	shalt  }
0x75: {  	_ =	shalt  }
0x76: {  	_ =	shalt  }
0x77: {  	_ =	shalt  }
0x78: {  	_ =	shalt  }
0x79: {  	_ =	shalt  }
0x7a: {  	_ =	shalt  }
0x7b: {  	_ =	shalt  }
0x7c: {  	_ =	shalt  }
0x7d: {  	_ =	shalt  }
0x7e: {  	_ =	shalt  }
0x7f: {  	_ =	shalt  }
0x80: {  	_ =	shalt  }
0x81: {  	_ =	shalt  }
0x82: {  	_ =	shalt  }
0x83: {  	_ =	shalt  }
0x84: {  	_ =	shalt  }
0x85: {  	_ =	shalt  }
0x86: {  	_ =	shalt  }
0x87: {  	_ =	shalt  }
.Lfunc_end0:
.L_simem_size_0:
called_computation_lowered:
.L_overlay_start_0:
0x88: {  	s2 =	sld [smem:$0x3FD9]  }
0x89: {  	s3 =	sld [smem:$0x3FFE];
	_ =	sdelay $0x1  }
0x8a: {  	s1 =	srdreg.scid  }
0x8b: {  	s0 =	sand.u32 $0x1, s1  }
0x8c: {  	s17 =	sshll.u32 s0, $0xA;
	s2 =	sadd.s32 s3, s2  }
0x8d: {  	s2 =	sadd.s32 s2, s17  }
0x8e: {  	[smem:$0x3FBB] =	sst s2  }
0x8f: {  	_ = 	snop  }
0x90: {  	s18 =	sld [smem:$0x3FD0];
	(tm) =	ssettm $0x1  }
0x91: {  	s19 =	sld [smem:$0x3FFB];
	_ =	sdelay $0x3  }
0x92: {  	_ =	strace s19  }
0x93: {  	s2 =	sld [smem:$0x3FFC];
	_ =	sdelay $0x3  }
0x94: {  	_ =	strace s2  }
0x95: {  	s2 =	sld [smem:$0x3FFD];
	_ =	sdelay $0x3  }
0x96: {  	_ =	strace s2  }
0x97: {  	_ =	strace $0x8FFFFFFF  }
0x98: {  	s20 =	sld [smem:$0x3FDB];
	_ =	sdelay $0x1  }
0x99: {  	s4 =	simm.s32 $_scs_section_size  }
0x9a: {  	s5 =	simm.s32 $_size__tile_overlayer_lowered;
	s6 =	simm.s32 $_tile_overlayer_lowered  }
0x9b: {  	s7 =	simm.s32 $0x1BFF;
	s21 =	sshll.u32 s6, $0x1;
	s4 =	sadd.s32 s4, s20  }
0x9c: {  	s22 =	simm.s32 $0x0;
	s5 =	sshll.u32 s5, $0x1;
	s6 =	sadd.s32 s21, s4  }
0x9d: {  	[timem:s22], [sflag:s7] =	dma.local [hbm:s6], s5  }
0x9e: {  	_ =	swait.ge [sflag:s7], s5  }
0x9f: {  	s5 =	ssub.s32 $0x0, s5;
	[sflag:s7] =	ssyncset.done $0x0  }
0xa0: {  	[sflag:s7] =	ssyncadd.s32 s5;
	_ =	sdelay $0x1  }
0xa1: {  	s23 =	simm.s32 $0x1B8B  }
0xa2: {  	_ =	swait.ge [sflag:s23], $0x1  }
0xa3: {  	[sflag:s23] =	ssyncset.done $0x0  }
0xa4: {  	[sflag:s23] =	ssyncadd.s32 $0xFFFFFFFF  }
0xa5: {  	s5 =	sld [smem:$0x0]  }
0xa6: {  	s6 =	sand.u32 $0xFFFFFFFE, s1  }
0xa7: {  	p0 =	sne.s32 s1, s6  }
0xa8: {  	s6 =	sshll.u32 @p0 s6, $0xE  }
0xa9: {  	s6 =	sadd.s32 @p0 $0x11B8D, s6;
	s7 =	sshll.u32 @p0 s5, $0x11  }
0xaa: {  	s6 =	sor.u32 @p0 s7, s6  }
0xab: {  	[sflag:s6] =	ssyncadd.remote.s32 @p0 $0x1;
	_ =	sdelay $0x1  }
0xac: {  	s6 =	simm.s32 @p0 $0x1B8D  }
0xad: {  	_ =	swait.eq @p0 [sflag:s6], $0x1  }
0xae: {  	[sflag:s6] =	ssyncadd.s32 @p0 $0xFFFFFFFF  }
0xaf: {  	s7 =	sshll.u32 @!p0 s1, $0xE  }
0xb0: {  	s7 =	sor.u32 @!p0 $0x4000, s7;
	s6 =	simm.s32 @!p0 $0x1B8D  }
0xb1: {  	s5 =	sshll.u32 @!p0 s5, $0x11;
	s7 =	sadd.s32 @!p0 $0x11B8D, s7;
	_ =	swait.eq @!p0 [sflag:s6], $0x1  }
0xb2: {  	s5 =	sor.u32 @!p0 s5, s7;
	[sflag:s6] =	ssyncadd.s32 @!p0 $0xFFFFFFFF  }
0xb3: {  	s25 =	simm.s32 $0x1B8E;
	s24 =	sld [smem:$0x3FFE];
	[sflag:s5] =	ssyncadd.remote.s32 @!p0 $0x1  }
0xb4: {  	s26 =	simm.s32 $execute0_lowered;
	[smem:$0x3FD2] =	sst s25  }
0xb5: {  	s6 =	sshll.u32 s26, $0x1;
	_ =	strace $0x80000049;
	[dreg:$0x1] =	wrdreg $0xFFFFFFFF  }
0xb6: {  	s28 =	simm.s32 $_size_execute0_lowered;
	s4 =	sadd.s32 s4, s6;
	[dreg:$0x0] =	wrdreg $0x0  }
0xb7: {  	s6 =	sshll.u32 s28, $0x1;
	[dreg:$0x2] =	wrdreg s4  }
0xb8: {  	[dreg:$0x3] =	wrdreg s6  }
0xb9: {  	[dreg:$0x4] =	wrdreg $0xC0  }
0xba: {  	_ =	task [dreg:s22], $0x5FFFF  }
0xbb: {  	[dreg:$0x1] =	wrdreg $0xFFFFFFFF  }
0xbc: {  	[dreg:$0x0] =	wrdreg $0x60  }
0xbd: {  	[dreg:$0x2] =	wrdreg s24  }
0xbe: {  	[dreg:$0x3] =	wrdreg s18  }
0xbf: {  	[dreg:$0x4] =	wrdreg $0xC0000  }
0xc0: {  	[dreg:$0x5] =	wrdreg $0x9  }
0xc1: {  	_ =	task.clear_ibuf [dreg:s22], $0x6FFFF;
	_ =	strace $0x90000049  }
0xc2: {  	s29 =	simm.s32 $0x9;
	_ =	strace $0x8000004B  }
0xc3: {  	_ =	swait.ge [sflag:s29], $0x1  }
0xc4: {  	[sflag:s29] =	ssyncadd.s32 $0xFFFFFFFF  }
0xc5: {  	_ =	strace $0x9000004B  }
0xc6: {  	_ =	sfence  }
0xc7: {  	s30 =	sld [smem:$0x0];
	_ =	sdelay $0x2  }
0xc8: {  	s31 =	sshll.u32 s1, $0xD;
	s1 =	sshrl.u32 s1, $0x2  }
0xc9: {  	s4 =	sand.u32 $0x4000, s31;
	s1 =	sadd.s32 s1, s30  }
0xca: {  	s0 =	sor.u32 s4, s0;
	s1 =	sshll.u32 s1, $0x11  }
0xcb: {  	s0 =	sor.u32 s1, s0  }
0xcc: {  	s0 =	sadd.s32 $0x8F2B, s0  }
0xcd: {  	[sflag:s0] =	ssyncadd.remote.s32 $0x1  }
0xce: {  	_ =	sfence.sel $0xFFFF  }
0xcf: {  	[dreg:$0x0] =	wrdreg $0xFFFFFFFF;
	(pc) =	sbr.abs _section_cstart, $3  }
0xd0: {  	[dreg:$0x1] =	wrdreg $0xFFFFFFFF  }
0xd1: {  	_ =	task.clear_ibuf [dreg:s22], $0x2FFFF;
	_ =	strace $0x9FFFFFFF  }
0xd2: {  	(tm) =	ssettm $0x7FFFFFFF  }
0xd3: {  	_ =	shalt  }
tec
execute0_lowered:
.L_overlay_start_1:
0x0: {  	(tag) =	ssettag $0x1  }
0x1: {  	s5 =	rddreg [dreg:$0x0]  }
0x2: {  	s8 =	rddreg [dreg:$0x1]  }
0x3: {  	s1 =	rddreg [dreg:$0x2]  }
0x4: {  	s0 =	rddreg [dreg:$0x3];
	s3 =	srdreg.scid  }
0x5: {  	s2 =	simm.s32 $0x0;
	s16 =	simm.s32 $0x6000;
	s6 =	sand.u32 $0x1, s3  }
0x6: {  	s17 =	simm.s32 $0x1;
	s3 =	stileid.u32;
	s7 =	smul.u32 $0xA000, s6  }
0x7: {  	s18 =	simm.s32 $0x3;
	s19 =	simm.s32 $0x2;
	s11 =	smul.u32 $0xA00, s3  }
0x8: {  	[smem:$0x7FF] =	sst s2;
	s4 =	sadd.s32 $0x5EA00, s5;
	s10 =	smul.u32 $0x50000, s3  }
0x9: {  	_ =	strace $0x8000004A;
	s9 =	ssub.s32 $0x2, s6;
	s15 =	smul.u32 $0x28000, s6  }
0xa: {  	s14 =	sshll.u32 s3, $0x6;
	s21 =	smul.u32 $0x2800, s3;
	s13 =	sshrl.u32 s9, $0x1  }
0xb: {  	s6 =	sor.u32 $0x1C04, s14;
	s14 =	simm.s32 $0x4000;
	s7 =	sadd.s32 s7, s5  }
0xc: {  	s12 =	sadd.s32 s11, s5;
	s5 =	sadd.s32 $0xC200, s5;
	s10 =	sshrl.u32 s10, $0x2  }
.Ltmp0:
0xd: {  	s9 =	ssub.s32 s9, s13;
	s20 =	sadd.s32 s8, s15;
	(pc) =	sbr.rel .LBB2_1-.Ltmp0, $4  }
0xe: {  	s13 =	simm.s32 $0x40;
	s15 =	simm.s32 $0x80;
	s10 =	sadd.s32 s10, s1  }
0xf: {  	s31 =	sadd.s32 $0xACC00, s7;
	s7 =	sadd.s32 $0x1E00, s12;
	s8 =	smax.u32 s9, $0x1  }
0x10: {  	s12 =	simm.s32 $0x2000;
	s20 =	sadd.s32 s21, s20;
	s21 =	simm.s32 $0x0  }
0x11: {  	s9 =	sshrl.u32 s10, $0x3;
	s10 =	simm.s32 $0x4;
	s11 =	sadd.s32 s11, s31  }
.LBB2_7:
0x12: {  	_ =	swait.ge [sflag:s19], $0x2000  }
0x13: {  	[sflag:s19] =	ssyncset.done $0x0  }
0x14: {  	[sflag:s19] =	ssyncadd.s32 $0xFFFFE000  }
0x15: {  	_ =	swait.ge [sflag:s19], $0x2000  }
0x16: {  	s21 =	sadd.s32 $0x1, s21;
	[sflag:s19] =	ssyncset.done $0x0  }
0x17: {  	p0 =	sne.s32 s21, s8;
	[sflag:s19] =	ssyncadd.s32 $0xFFFFE000  }
.Ltmp1:
0x18: {  	[bflag:$0x0] =	sbarrier.arrive $0xFFFF;
	(pc) =	sbr.rel @!p0 .LBB2_8-.Ltmp1, $4  }
0x19: {  	[hbm:s20], [sflag:s6] =	dma.local [spmem:s9], $0x2800  }
0x1a: {  	_ =	swait.ge [sflag:s10], $0x2800  }
0x1b: {  	[sflag:s10] =	ssyncset.done $0x0  }
0x1c: {  	[sflag:s10] =	ssyncadd.s32 $0xFFFFD800  }
.LBB2_1:
0x1d: {  	[spmem:s9], [sflag:s6] =	dma.local [hbm:s5], $0x2800  }
0x1e: {  	_ =	swait.ge [sflag:s10], $0x2800  }
0x1f: {  	[sflag:s10] =	ssyncset.done $0x0  }
0x20: {  	[sflag:s10] =	ssyncadd.s32 $0xFFFFD800  }
0x21: {  	[tilespmem:s2], [sflag:$0x4] =	stream.linear.gather [hbm4b:s11+s2], $0x1000, $0x38;
	v63 =	vld [tilespmem:$0x0]  }
0x22: {  	_ =	swait.ge [sflag:s10], $0x1000  }
0x23: {  	[sflag:s10] =	ssyncset.done $0x0  }
0x24: {  	[sflag:s10] =	ssyncadd.s32 $0xFFFFF000  }
0x25: {  	[tilespmem:s12], [sflag:$0x4] =	stream.linear.gather [hbm4b:s7+s2], $0x1000, $0x38;
	v63 =	vld [tilespmem:$0x0]  }
0x26: {  	_ =	swait.ge [sflag:s10], $0x1000  }
0x27: {  	[sflag:s10] =	ssyncset.done $0x0  }
.Ltmp2:
0x28: {  	[sflag:s10] =	ssyncadd.s32 $0xFFFFF000;
	(pc) =	sbr.rel .LBB2_2-.Ltmp2, $4  }
0x29: {  	[bflag:$0x0] =	sbarrier.arrive $0xFFFF  }
0x2a: {  	[tilespmem:s14], [sflag:$0x1] =	stream.indirect.gather [hbm4b:s4+s13], $0x80, s2, s13, $0xb8;
	v63 =	vld [tilespmem:$0x0]  }
0x2b: {  	s22 =	simm.s32 $0x400;
	s23 =	simm.s32 $0x0;
	s24 =	simm.s32 $0x0  }
0x2c: {  	[tilespmem:s16], [sflag:$0x1] =	stream.indirect.gather [hbm4b:s4+s13], $0x80, s15, s13, $0xb8;
	v63 =	vld [tilespmem:$0x0]  }
.LBB2_3:
0x2d: {  	_ =	swait.ge [sflag:s18], $0x1000  }
0x2e: {  	[sflag:s18] =	ssyncset.done $0x0  }
0x2f: {  	[sflag:s18] =	ssyncadd.s32 $0xFFFFF000  }
0x30: {  	_ =	swait.ge [sflag:s18], $0x1000  }
0x31: {  	[sflag:s18] =	ssyncset.done $0x0  }
0x32: {  	[sflag:s18] =	ssyncadd.s32 $0xFFFFF000  }
.LBB2_5:
0x33: {  	s28 =	sadd.s32 $0x4000, s23  }
0x34: {  	s29 =	sand.u32 $0x7E00, s22;
	s28 =	sand.u32 $0x6000, s28  }
0x35: {  	s29 =	sshrl.u32 s29, $0x2;
	s28 =	sadd.s32 $0x4000, s28  }
0x36: {  	[tilespmem:s28], [sflag:$0x1] =	stream.indirect.gather [hbm4b:s4+s13], $0x80, s29, s13, $0xb8;
	v63 =	vld [tilespmem:$0x0]  }
.LBB2_6:
0x37: {  	s22 =	sadd.s32 $0x200, s22  }
0x38: {  	p0 =	sne.s32 s22, $0x14400  }
.Ltmp3:
0x39: {  	_ = 	snop;
	(pc) =	sbr.rel @!p0 .LBB2_7-.Ltmp3, $4  }
0x3a: {  	s25 =	sshll.u32 s25, $0xC;
	s26 =	sshll.u32 s26, $0x7  }
0x3b: {  	s28 =	sand.u32 $0x6000, s23;
	s24 =	sadd.s32 $0x1, s24;
	s25 =	sor.u32 s26, s25  }
0x3c: {  	s23 =	sadd.s32 $0x2000, s23;
	s31 =	sadd.s32 $0x4000, s28;
	s25 =	sor.u32 $0x2000, s25  }
0x3d: {  	[spmem:s1] =	stream.indirect.scatter.add.f32 [tilespmem:s31], [sflag:$0x2], $0x80, s25, s13, $0xb8;
	v63 =	vld [tilespmem:$0x0]  }
.LBB2_2:
0x3e: {  	_ =	swait.ge [sflag:s17], $0x2000  }
0x3f: {  	p0 =	slt.u32 s24, $0x2;
	[sflag:s17] =	ssyncset.done $0x0  }
0x40: {  	s25 =	sand.u32 $0x9F, s24;
	s26 =	simm.s32 @!p0 $0x2;
	[sflag:s17] =	ssyncadd.s32 $0xFFFFE000  }
0x41: {  	s28 =	sshrl.u32 s24, $0x5;
	p1 =	sne.s32 s25, $0x1;
	_ =	swait.ge @!p0 [sflag:s26], $0x2000  }
0x42: {  	s25 =	sand.u32 $0x1, s28;
	s28 =	sshll.u32 @!p1 s28, $0x9;
	[sflag:s26] =	ssyncset.done @!p0 $0x0  }
0x43: {  	s28 =	sadd.s32 @!p1 $0x200, s28;
	[sflag:s26] =	ssyncadd.s32 @!p0 $0xFFFFE000;
	s26 =	sshll.u32 @!p1 s25, $0xC  }
0x44: {  	s30 =	simm.s32 @!p1 $0x0;
	s29 =	sadd.s32 @!p1 s11, s28;
	s26 =	sxor.u32 @!p1 $0x1000, s26  }
0x45: {  	[tilespmem:s26], [sflag:$0x3] =	stream.linear.gather @!p1 [hbm4b:s29+s30], $0x1000, $0x38;
	v63 =	vld [tilespmem:$0x0]  }
0x46: {  	s28 =	sadd.s32 @!p1 s7, s28;
	s26 =	sor.u32 @!p1 $0x2000, s26  }
0x47: {  	[tilespmem:s26], [sflag:$0x3] =	stream.linear.gather @!p1 [hbm4b:s28+s30], $0x1000, $0x38;
	v63 =	vld [tilespmem:$0x0]  }
0x48: {  	p0 =	sgt.u32 s24, $0x9D;
	s26 =	sand.u32 $0x1F, s24  }
0x49: {  	p1 =	sne.s32 @!p0 s26, $0x1E  }
0x4a: {  	p1 =	por p0, p1  }
.Ltmp4:
0x4b: {  	_ = 	snop;
	(pc) =	sbr.rel @!p1 .LBB2_3-.Ltmp4, $1  }
0x4c: {  	_ =	sdelay $0x3  }
.Ltmp5:
0x4d: {  	(pc) =	sbr.rel @p0 .LBB2_6-.Ltmp5, $4  }
.Ltmp6:
0x4e: {  	(pc) =	sbr.rel @!p0 .LBB2_5-.Ltmp6, $4  }
0x4f: {  	_ = 	snop  }
0x50: {  	_ = 	snop  }
0x51: {  	_ = 	snop  }
0x52: {  	_ = 	snop  }
.LBB2_8:
0x53: {  	_ =	sfence.sel $0x180000  }
0x54: {  	[bflag:$0x0] =	sbarrier.arrive $0xFFFF  }
0x55: {  	p0 =	sne.s32 s3, $0x0;
	_ =	strace $0x9000004A  }
0x56: {  	s0 =	sadd.s32 @!p0 $0x100000, s0;
	[bflag:$0x2] =	sbarrier.arrive $0xFFFF  }
0x57: {  	[sflag:s0] =	ssyncadd.tile.s32 @!p0 $0x1;
	_ =	shalt  }
.Lfunc_end2:
_tile_overlayer_lowered:
.L_overlay_start_2:
0x58: {  	(tag) =	ssettag $0x2  }
0x59: {  	s0 =	rddreg [dreg:$0x0];
	s2 =	stileid.u32  }
0x5a: {  	s1 =	rddreg [dreg:$0x1];
	p0 =	sne.s32 s2, $0x0  }
0x5b: {  	s3 =	rddreg [dreg:$0x2];
	[bflag:$0x3] =	sbarrier.arrive $0xFFFF;
	s2 =	simm.s32 @!p0 $0x1C04  }
0x5c: {  	[timem:s3], [sflag:s2] =	dma.local @!p0 [hbm:s0], s1  }
0x5d: {  	s0 =	simm.s32 @!p0 $0x4  }
0x5e: {  	_ =	swait.ge @!p0 [sflag:s0], s1  }
0x5f: {  	s1 =	ssub.s32 @!p0 $0x0, s1;
	[sflag:s0] =	ssyncset.done @!p0 $0x0  }
0x60: {  	[sflag:s0] =	ssyncadd.s32 @!p0 s1  }
0x61: {  	[bflag:$0x3] =	sbarrier.arrive $0xFFFF  }
0x62: {  	_ =	shalt  }

</sc_bundles>
